<compile_context>
chip_gen: v7x
topology: tpu7x:2x2x1
jax: 0.10.2.dev20260603
libtpu: 0.0.44.dev20260713+nightly
codegen_flags: <defaults>
</compile_context>

<pallas_src>
import functools

import jax
import jax.numpy as jnp
from jax import lax
from jax.experimental import pallas as pl
from jax.experimental.pallas import tpu as pltpu
from jax.experimental.pallas import tpu_sc as plsc

_N = 5000
_NP = 5120
_CB = 128
_NCB = _NP // _CB
_R = 128
_HS = 256
_NB = 2 * _NP
_NBE = _NB + 16
_NPE = _NP + 16


def _match_body(rx1, ry1, rx2, ry2, rid, rsc,
                cx1, cy1, cx2, cy2, cid,
                dv_out, ig_out, idx_out):
    x1 = rx1[...].reshape(_R, 1)
    y1 = ry1[...].reshape(_R, 1)
    x2 = rx2[...].reshape(_R, 1)
    y2 = ry2[...].reshape(_R, 1)
    tid = rid[...].reshape(_R, 1)
    aa = (x2 - x1) * (y2 - y1)
    lane = lax.broadcasted_iota(jnp.int32, (1, _CB), 1).astype(jnp.float32)

    def body(c, carry):
        nm, dm, cb = carry
        bx1 = cx1[pl.ds(c, 1), :]
        by1 = cy1[pl.ds(c, 1), :]
        bx2 = cx2[pl.ds(c, 1), :]
        by2 = cy2[pl.ds(c, 1), :]
        bid = cid[pl.ds(c, 1), :]
        iw = jnp.maximum(jnp.minimum(x2, bx2) - jnp.maximum(x1, bx1), 0.0)
        ih = jnp.maximum(jnp.minimum(y2, by2) - jnp.maximum(y1, by1), 0.0)
        inter = iw * ih
        bb = (bx2 - bx1) * (by2 - by1)
        union = aa + bb - inter
        match = tid == bid
        n = jnp.where(match, -1.0, inter)
        d = jnp.where(match, 1.0, union)
        upd = n * dm > nm * d
        nm = jnp.where(upd, n, nm)
        dm = jnp.where(upd, d, dm)
        cb = jnp.where(upd, c.astype(jnp.float32), cb)
        return nm, dm, cb

    nm0 = jnp.full((_R, _CB), -3.0, jnp.float32)
    dm0 = jnp.ones((_R, _CB), jnp.float32)
    cb0 = jnp.zeros((_R, _CB), jnp.float32)
    nm, dm, cb = lax.fori_loop(0, _NCB, body, (nm0, dm0, cb0), unroll=20)

    cm = nm / dm
    gmax = jnp.max(cm, axis=1, keepdims=True)
    jf = jnp.where(cm == gmax, cb * float(_CB) + lane, 1e9)
    bidx = jnp.min(jf, axis=1, keepdims=True)
    has = gmax > 0.0
    ig = 1.0 - jnp.where(has, gmax, 0.0)
    dv_out[...] = (ig * rsc[...].reshape(_R, 1)).reshape(1, 1, _R)
    ig_out[...] = jnp.where(has, ig, -1.0).reshape(1, 1, _R)
    idx_out[...] = bidx.astype(jnp.int32).reshape(1, 1, _R)


def _match(rx1, ry1, rx2, ry2, rid, rsc, cx1, cy1, cx2, cy2, cid,
           interpret=False):
    row_spec = pl.BlockSpec((1, 1, _R), lambda g: (g, 0, 0))
    col_spec = pl.BlockSpec((_NCB, _CB), lambda g: (0, 0))
    return pl.pallas_call(
        _match_body,
        grid=(_NP // _R,),
        in_specs=[row_spec] * 6 + [col_spec] * 5,
        out_specs=[row_spec, row_spec, row_spec],
        out_shape=[
            jax.ShapeDtypeStruct((_NCB, 1, _R), jnp.float32),
            jax.ShapeDtypeStruct((_NCB, 1, _R), jnp.float32),
            jax.ShapeDtypeStruct((_NCB, 1, _R), jnp.int32),
        ],
        compiler_params=pltpu.CompilerParams(
            dimension_semantics=("parallel",)),
        interpret=interpret,
    )(rx1, ry1, rx2, ry2, rid, rsc, cx1, cy1, cx2, cy2, cid)


def _make_sc_paint():
    info = plsc.get_sparse_core_info()
    nc, ns = info.num_cores, info.num_subcores
    nw = nc * ns
    rows = _HS // nw
    strip = rows * _HS
    mesh = plsc.VectorSubcoreMesh(core_axis_name="c", subcore_axis_name="s")

    @functools.partial(
        pl.kernel,
        mesh=mesh,
        out_type=jax.ShapeDtypeStruct((4 * _HS * _HS,), jnp.float32),
        compiler_params=pltpu.CompilerParams(needs_layout_passes=False),
        scratch_types=[
            pltpu.VMEM((_NBE,), jnp.int32),
            pltpu.VMEM((_NBE,), jnp.float32),
            pltpu.VMEM((_NPE,), jnp.float32),
            pltpu.VMEM((_NPE,), jnp.int32),
            pltpu.VMEM((_NP,), jnp.float32),
            pltpu.VMEM((_NPE,), jnp.float32),
            pltpu.VMEM((_NBE,), jnp.int32),
            pltpu.VMEM((16,), jnp.int32),
            pltpu.VMEM((16,), jnp.float32),
            pltpu.VMEM((strip,), jnp.float32),
            pltpu.VMEM((4 * strip,), jnp.float32),
        ],
    )
    def sc_paint(pack_h, dv_h, ign_h, bidx_h, sp_h,
                 out_h,
                 packv, valsv, ignv, bidxv, spv, igmv,
                 listv, kscr, vscr, stripv, upv):
        wid = lax.axis_index("s") * nc + lax.axis_index("c")
        y0 = wid * rows
        pltpu.sync_copy(pack_h, packv)
        pltpu.sync_copy(dv_h, valsv.at[pl.ds(0, _NP)])
        pltpu.sync_copy(ign_h, ignv)
        pltpu.sync_copy(bidx_h, bidxv)
        pltpu.sync_copy(sp_h, spv)

        iota = lax.iota(jnp.int32, 16)
        zero16 = jnp.zeros((16,), jnp.float32)
        neg16 = jnp.full((16,), -1.0, jnp.float32)

        def z_body(i, _):
            stripv[pl.ds(i * 16, 16)] = zero16
            return 0

        lax.fori_loop(0, strip // 16, z_body, 0)

        def n_body(i, _):
            igmv[pl.ds(i * 16, 16)] = neg16
            return 0

        lax.fori_loop(0, _NPE // 16, n_body, 0)

        def cand_body(g, off):
            b0 = g * 16
            pw = packv[pl.ds(b0, 16)]
            ylo = lax.shift_right_logical(pw, 8) & 255
            yhi = lax.shift_right_logical(pw, 24) & 255
            m = (ylo < y0 + rows) & (yhi > y0)
            plsc.store_compressed(listv.at[pl.ds(off, 16)], b0 + iota,
                                  mask=m)
            return off + plsc.all_reduce_population_count(m)[0]

        cnt = lax.fori_loop(0, _NB // 16, cand_body, 0)

        def igm_body(c, _):
            j16 = bidxv[pl.ds(c * 16, 16)]
            g16 = ignv[pl.ds(c * 16, 16)]
            key = jnp.where(g16 >= 0.0, j16, _NP)
            ks, vs = plsc.sort_key_val(key, g16)
            kscr[...] = ks
            for s in (1, 2, 4, 8):
                vscr[...] = vs
                idx = jnp.maximum(iota - s, 0)
                pk = plsc.load_gather(kscr, [idx])
                pv = plsc.load_gather(vscr, [idx])
                take = (iota >= s) & (pk == ks)
                vs = jnp.where(take, jnp.maximum(vs, pv), vs)
            nk = plsc.load_gather(kscr, [jnp.minimum(iota + 1, 15)])
            last = (iota == 15) | (nk != ks)
            msk = last & (ks < _NP)
            cur = plsc.load_gather(igmv, [ks])
            plsc.store_scatter(igmv, [ks], jnp.maximum(cur, vs), mask=msk)
            return 0

        lax.fori_loop(0, _NP // 16, igm_body, 0)

        def pv_body(i, _):
            g = igmv[pl.ds(i * 16, 16)]
            s = spv[pl.ds(i * 16, 16)]
            valsv[pl.ds(_NP + i * 16, 16)] = jnp.where(g >= 0.0, g * s, s)
            return 0

        lax.fori_loop(0, _NP // 16, pv_body, 0)

        def body(t, _):
            b = listv[pl.ds(t, 16)][0]
            pw = packv[pl.ds(b, 16)][0]
            x1 = pw & 255
            y1 = lax.shift_right_logical(pw, 8) & 255
            x2 = lax.shift_right_logical(pw, 16) & 255
            y2 = lax.shift_right_logical(pw, 24) & 255
            v = valsv[pl.ds(b, 16)][0]
            lo = jnp.maximum(y1, y0)
            hi = jnp.minimum(y2, y0 + rows)
            msk = (x1 + iota) < x2

            def row(y, _):
                idx = (y - y0) * _HS + x1 + iota
                cur = plsc.load_gather(stripv, [idx])
                plsc.store_scatter(stripv, [idx],
                                   jnp.maximum(cur, v), mask=msk)
                return 0

            lax.fori_loop(lo, hi, row, 0)
            return 0

        lax.fori_loop(0, cnt, body, 0)

        def up_body(r, _):
            def chunk(k, _):
                src = plsc.load_gather(
                    stripv,
                    [r * _HS + lax.shift_right_logical(k * 16 + iota, 1)])
                upv[pl.ds(r * 4 * _HS + k * 16, 16)] = src
                upv[pl.ds(r * 4 * _HS + 2 * _HS + k * 16, 16)] = src
                return 0

            lax.fori_loop(0, 2 * _HS // 16, chunk, 0)
            return 0

        lax.fori_loop(0, rows, up_body, 0)
        pltpu.sync_copy(upv, out_h.at[pl.ds(wid * 4 * strip, 4 * strip)])

    return sc_paint


def _pad1(x):
    return jnp.pad(x, (0, _NP - x.shape[0]))


def kernel(inputs, dets, dets_prev):
    n_, c_, h, w = inputs.shape
    q = jnp.floor(dets[:, :4] * 0.5)
    qp = jnp.floor(dets_prev[:, :4] * 0.5)

    rx1 = _pad1(q[:, 0]).reshape(_NCB, 1, _CB)
    ry1 = _pad1(q[:, 1]).reshape(_NCB, 1, _CB)
    rx2 = _pad1(q[:, 2]).reshape(_NCB, 1, _CB)
    ry2 = _pad1(q[:, 3]).reshape(_NCB, 1, _CB)
    rid = _pad1(dets[:, 5]).reshape(_NCB, 1, _CB)
    rsc = _pad1(dets[:, 4]).reshape(_NCB, 1, _CB)
    cx1 = _pad1(qp[:, 0]).reshape(_NCB, _CB)
    cy1 = _pad1(qp[:, 1]).reshape(_NCB, _CB)
    cx2 = _pad1(qp[:, 2]).reshape(_NCB, _CB)
    cy2 = _pad1(qp[:, 3]).reshape(_NCB, _CB)
    cid = _pad1(dets_prev[:, 5]).reshape(_NCB, _CB)

    dv, ign, bidx = _match(rx1, ry1, rx2, ry2, rid, rsc,
                           cx1, cy1, cx2, cy2, cid)
    dv = dv.reshape(_NP)
    ign = ign.reshape(_NP)
    bidx = bidx.reshape(_NP)

    qi = q.astype(jnp.int32)
    qpi = qp.astype(jnp.int32)

    def packed(qb):
        return (qb[:, 0] | (qb[:, 1] << 8) | (qb[:, 2] << 16)
                | (qb[:, 3] << 24))

    pack = jnp.pad(jnp.concatenate([_pad1(packed(qi)), _pad1(packed(qpi))]),
                   (0, 16))
    sp = _pad1(dets_prev[:, 4])
    ign_e = jnp.pad(ign, (0, 16))
    bidx_e = jnp.pad(bidx, (0, 16))

    m_flat = _make_sc_paint()(pack, dv, ign_e, bidx_e, sp)
    return m_flat.reshape(1, 1, h, w)

# --- scband reference (transcript-rebuilt; emitter-appended) ---
"""Pipeline reference for scband-information-gain-object-detection-38826504356400 (READ-ONLY COPY).

The authoritative reference and input builder live on the scoring server;
editing this copy changes nothing except your own understanding.
"""

import jax, jax.numpy as jnp
import numpy as np

H = W = 512
N = 5000
SUB = 2
MAXD = 16


def _make_dets(k, ids, n, h, w):
    k1, k2, k3, k4, k5 = jax.random.split(k, 5)
    x1 = jax.random.uniform(k1, (n,), minval=0.0, maxval=w - 33.0)
    y1 = jax.random.uniform(k2, (n,), minval=0.0, maxval=h - 33.0)
    bw = jax.random.uniform(k3, (n,), minval=8.0, maxval=32.0)
    bh = jax.random.uniform(k4, (n,), minval=8.0, maxval=32.0)
    score = jax.random.uniform(k5, (n,))
    flag = jnp.ones((n,), jnp.float32)
    return jnp.stack([x1, y1, x1 + bw, y1 + bh, score, ids.astype(jnp.float32), flag], axis=1)


def setup_inputs(seed: int = 0) -> dict:
    key = jax.random.key(seed)
    ks = jax.random.split(key, 4)
    ids_prev = jnp.arange(N)
    ids = jax.random.permutation(ks[2], N)
    dets = _make_dets(ks[0], ids, N, H, W)
    dets_prev = _make_dets(ks[1], ids_prev, N, H, W)
    inputs = jax.random.normal(ks[3], (1, 3, H, W), dtype=jnp.float32)
    return {"inputs": inputs, "dets": dets, "dets_prev": dets_prev}


def _iou_matrix(a, b):
    ax1, ay1, ax2, ay2 = a[:, 0][:, None], a[:, 1][:, None], a[:, 2][:, None], a[:, 3][:, None]
    bx1, by1, bx2, by2 = b[:, 0][None, :], b[:, 1][None, :], b[:, 2][None, :], b[:, 3][None, :]
    iw = jnp.maximum(jnp.minimum(ax2, bx2) - jnp.maximum(ax1, bx1), 0.0)
    ih = jnp.maximum(jnp.minimum(ay2, by2) - jnp.maximum(ay1, by1), 0.0)
    inter = iw * ih
    aa = (ax2 - ax1) * (ay2 - ay1)
    bb = (bx2 - bx1) * (by2 - by1)
    return inter / (aa + bb - inter)


def _paint_max(boxes, vals, hs, ws):
    # rectangle max-painting via scatter-max (SparseCore friendly)
    dy = jnp.arange(MAXD)
    dx = jnp.arange(MAXD)
    x1, y1, x2, y2 = boxes[:, 0], boxes[:, 1], boxes[:, 2], boxes[:, 3]
    py = y1[:, None, None] + dy[None, :, None]
    px = x1[:, None, None] + dx[None, None, :]
    valid = (py < y2[:, None, None]) & (px < x2[:, None, None])
    flat = jnp.where(valid, py * ws + px, hs * ws)
    v = jnp.broadcast_to(vals[:, None, None], flat.shape)
    m = jnp.zeros((hs * ws + 1,), jnp.float32).at[flat.reshape(-1)].max(v.reshape(-1))
    return m[: hs * ws].reshape(hs, ws)


def reference(inputs, dets, dets_prev):
    n_, c, h, w = inputs.shape
    hs, ws = h // SUB, w // SUB
    boxes = (jax.lax.stop_gradient(dets[:, :4]) / SUB).astype(jnp.int32)
    boxes_p = (jax.lax.stop_gradient(dets_prev[:, :4]) / SUB).astype(jnp.int32)
    scores = dets[:, 4]
    scores_p = dets_prev[:, 4]
    ids = jax.lax.stop_gradient(dets[:, 5]).astype(jnp.int32)
    ids_p = jax.lax.stop_gradient(dets_prev[:, 5]).astype(jnp.int32)
    iou = _iou_matrix(boxes.astype(jnp.float32), boxes_p.astype(jnp.float32))
    match = ids[:, None] == ids_p[None, :]
    iou_m = jnp.where(match, -1.0, iou)
    best_iou_raw = jnp.max(iou_m, axis=1)
    best_idx = jnp.argmax(iou_m, axis=1)
    has_best = best_iou_raw > 0.0
    best_iou = jnp.where(has_best, best_iou_raw, 0.0)
    ig = 1.0 - best_iou
    det_vals = ig * scores
    npv = boxes_p.shape[0]
    igm = jnp.full((npv,), -1.0).at[best_idx].max(jnp.where(has_best, ig, -1.0))
    matched = jnp.zeros((npv,)).at[best_idx].max(has_best.astype(jnp.float32)) > 0
    prev_vals = jnp.where(matched, jnp.maximum(igm, 0.0) * scores_p, scores_p)
    all_boxes = jnp.concatenate([boxes, boxes_p], axis=0)
    all_vals = jnp.concatenate([det_vals, prev_vals], axis=0)
    m = _paint_max(all_boxes, all_vals, hs, ws)
    m = jnp.repeat(jnp.repeat(m, SUB, axis=0), SUB, axis=1)
    return m[None, None, :, :]

if __name__ == "__main__":
    import jax
    _d = setup_inputs()
    print(jax.jit(kernel)(*tuple(_d.values())))

</pallas_src>

<mosaic_0001>
#map = affine_map<(d0, d1) -> (0)>
module attributes {stable_mosaic.version = 14 : i64} {
  func.func @sc_paint(%arg0: i32, %arg1: i32, %arg2: memref<10256xi32, #tpu.memory_space<hbm>>, %arg3: memref<5120xf32, #tpu.memory_space<hbm>>, %arg4: memref<5136xf32, #tpu.memory_space<hbm>>, %arg5: memref<5136xi32, #tpu.memory_space<hbm>>, %arg6: memref<5120xf32, #tpu.memory_space<hbm>>, %arg7: memref<262144xf32, #tpu.memory_space<hbm>>, %arg8: memref<10256xi32, #tpu.memory_space<vmem>>, %arg9: memref<10256xf32, #tpu.memory_space<vmem>>, %arg10: memref<5136xf32, #tpu.memory_space<vmem>>, %arg11: memref<5136xi32, #tpu.memory_space<vmem>>, %arg12: memref<5120xf32, #tpu.memory_space<vmem>>, %arg13: memref<5136xf32, #tpu.memory_space<vmem>>, %arg14: memref<10256xi32, #tpu.memory_space<vmem>>, %arg15: memref<16xi32, #tpu.memory_space<vmem>>, %arg16: memref<16xf32, #tpu.memory_space<vmem>>, %arg17: memref<2048xf32, #tpu.memory_space<vmem>>, %arg18: memref<8192xf32, #tpu.memory_space<vmem>>) attributes {dimension_semantics = [#tpu.dimension_semantics<core_parallel>, #tpu.dimension_semantics<subcore_parallel>], iteration_bounds = array<i64: 2, 16>, scalar_prefetch = 0 : i64, scratch_operands = 11 : i64, tpu.core_type = #tpu.core_type<sc_vector_subcore>, window_params = [{transform_indices = #map}, {transform_indices = #map}, {transform_indices = #map}, {transform_indices = #map}, {transform_indices = #map}, {transform_indices = #map}]} {
    %mul3A = arith.constant 2 : i32
    %mul3A_0 = arith.muli %arg1, %mul3A : i32
    %add3A = arith.addi %mul3A_0, %arg0 : i32
    %mul3A_1 = arith.constant 8 : i32
    %mul3A_2 = arith.muli %add3A, %mul3A_1 : i32
    "tpu.region"() ({
      %run_scoped3A = tpu.sem_alloc : memref<!tpu.dma_semaphore, #tpu.memory_space<semaphore_mem>>
      tpu.enqueue_dma source(%arg2 : memref<10256xi32, #tpu.memory_space<hbm>>) target(%arg8 : memref<10256xi32, #tpu.memory_space<vmem>>) target_semaphore(%run_scoped3A : memref<!tpu.dma_semaphore, #tpu.memory_space<semaphore_mem>>)
      tpu.wait_dma2 semaphore(%run_scoped3A : memref<!tpu.dma_semaphore, #tpu.memory_space<semaphore_mem>>) src(%arg2 : memref<10256xi32, #tpu.memory_space<hbm>>) dst(%arg8 : memref<10256xi32, #tpu.memory_space<vmem>>)
      tpu.yield
    }) : () -> ()
    "tpu.region"() ({
      %run_scoped3A = tpu.sem_alloc : memref<!tpu.dma_semaphore, #tpu.memory_space<semaphore_mem>>
      %dma_start3A = arith.constant 0 : i32
      %dma_start3A_62 = tpu.memref_slice %arg9[%dma_start3A] : memref<10256xf32, #tpu.memory_space<vmem>> -> memref<5120xf32, #tpu.memory_space<vmem>>
      %dma_start3A_63 = arith.constant 0 : i32
      %dma_start3A_64 = tpu.memref_slice %arg9[%dma_start3A_63] : memref<10256xf32, #tpu.memory_space<vmem>> -> memref<5120xf32, #tpu.memory_space<vmem>>
      tpu.enqueue_dma source(%arg3 : memref<5120xf32, #tpu.memory_space<hbm>>) target(%dma_start3A_64 : memref<5120xf32, #tpu.memory_space<vmem>>) target_semaphore(%run_scoped3A : memref<!tpu.dma_semaphore, #tpu.memory_space<semaphore_mem>>)
      %dma_wait3A = arith.constant 0 : i32
      %dma_wait3A_65 = tpu.memref_slice %arg9[%dma_wait3A] : memref<10256xf32, #tpu.memory_space<vmem>> -> memref<5120xf32, #tpu.memory_space<vmem>>
      %dma_wait3A_66 = arith.constant 0 : i32
      %dma_wait3A_67 = tpu.memref_slice %arg9[%dma_wait3A_66] : memref<10256xf32, #tpu.memory_space<vmem>> -> memref<5120xf32, #tpu.memory_space<vmem>>
      tpu.wait_dma2 semaphore(%run_scoped3A : memref<!tpu.dma_semaphore, #tpu.memory_space<semaphore_mem>>) src(%arg3 : memref<5120xf32, #tpu.memory_space<hbm>>) dst(%dma_wait3A_67 : memref<5120xf32, #tpu.memory_space<vmem>>)
      tpu.yield
    }) : () -> ()
    "tpu.region"() ({
      %run_scoped3A = tpu.sem_alloc : memref<!tpu.dma_semaphore, #tpu.memory_space<semaphore_mem>>
      tpu.enqueue_dma source(%arg4 : memref<5136xf32, #tpu.memory_space<hbm>>) target(%arg10 : memref<5136xf32, #tpu.memory_space<vmem>>) target_semaphore(%run_scoped3A : memref<!tpu.dma_semaphore, #tpu.memory_space<semaphore_mem>>)
      tpu.wait_dma2 semaphore(%run_scoped3A : memref<!tpu.dma_semaphore, #tpu.memory_space<semaphore_mem>>) src(%arg4 : memref<5136xf32, #tpu.memory_space<hbm>>) dst(%arg10 : memref<5136xf32, #tpu.memory_space<vmem>>)
      tpu.yield
    }) : () -> ()
    "tpu.region"() ({
      %run_scoped3A = tpu.sem_alloc : memref<!tpu.dma_semaphore, #tpu.memory_space<semaphore_mem>>
      tpu.enqueue_dma source(%arg5 : memref<5136xi32, #tpu.memory_space<hbm>>) target(%arg11 : memref<5136xi32, #tpu.memory_space<vmem>>) target_semaphore(%run_scoped3A : memref<!tpu.dma_semaphore, #tpu.memory_space<semaphore_mem>>)
      tpu.wait_dma2 semaphore(%run_scoped3A : memref<!tpu.dma_semaphore, #tpu.memory_space<semaphore_mem>>) src(%arg5 : memref<5136xi32, #tpu.memory_space<hbm>>) dst(%arg11 : memref<5136xi32, #tpu.memory_space<vmem>>)
      tpu.yield
    }) : () -> ()
    "tpu.region"() ({
      %run_scoped3A = tpu.sem_alloc : memref<!tpu.dma_semaphore, #tpu.memory_space<semaphore_mem>>
      tpu.enqueue_dma source(%arg6 : memref<5120xf32, #tpu.memory_space<hbm>>) target(%arg12 : memref<5120xf32, #tpu.memory_space<vmem>>) target_semaphore(%run_scoped3A : memref<!tpu.dma_semaphore, #tpu.memory_space<semaphore_mem>>)
      tpu.wait_dma2 semaphore(%run_scoped3A : memref<!tpu.dma_semaphore, #tpu.memory_space<semaphore_mem>>) src(%arg6 : memref<5120xf32, #tpu.memory_space<hbm>>) dst(%arg12 : memref<5120xf32, #tpu.memory_space<vmem>>)
      tpu.yield
    }) : () -> ()
    %iota3A = tpu.iota {dimensions = array<i32: 0>} : vector<16xi32>
    %broadcast_in_dim3A = arith.constant 0.000000e+00 : f32
    %broadcast_in_dim3A_3 = vector.broadcast %broadcast_in_dim3A : f32 to vector<16xf32>
    %broadcast_in_dim3A_4 = arith.constant -1.000000e+00 : f32
    %broadcast_in_dim3A_5 = vector.broadcast %broadcast_in_dim3A_4 : f32 to vector<16xf32>
    %scan3A = arith.constant 0 : i32
    %scan3A_6 = arith.constant 0 : i32
    %scan3A_7 = arith.constant 128 : i32
    %scan3A_8 = arith.addi %scan3A_6, %scan3A_7 : i32
    %scan3A_9 = arith.constant 1 : i32
    %scan3A_10 = scf.for %scan3A_62 = %scan3A_6 to %scan3A_8 step %scan3A_9 iter_args(%scan3A_63 = %scan3A) -> (i32)  : i32 {
      %mul3A_64 = arith.constant 16 : i32
      %mul3A_65 = arith.muli %scan3A_62, %mul3A_64 : i32
      %swap3A = arith.index_cast %mul3A_65 : i32 to index
      %swap3A_66 = tpu.vector_load %arg17[%swap3A] {strides = array<i32>} : memref<2048xf32, #tpu.memory_space<vmem>>, vector<16xf32>,
      tpu.vector_store %arg17[%swap3A], %broadcast_in_dim3A_3 {strides = array<i32>} : memref<2048xf32, #tpu.memory_space<vmem>>, vector<16xf32>,
      %scan3A_67 = arith.constant 0 : i32
      scf.yield %scan3A_67 : i32
    }
    %scan3A_11 = arith.constant 128 : i32
    %scan3A_12 = arith.constant 0 : i32
    %scan3A_13 = arith.constant 0 : i32
    %scan3A_14 = arith.constant 321 : i32
    %scan3A_15 = arith.addi %scan3A_13, %scan3A_14 : i32
    %scan3A_16 = arith.constant 1 : i32
    %scan3A_17 = scf.for %scan3A_62 = %scan3A_13 to %scan3A_15 step %scan3A_16 iter_args(%scan3A_63 = %scan3A_12) -> (i32)  : i32 {
      %mul3A_64 = arith.constant 16 : i32
      %mul3A_65 = arith.muli %scan3A_62, %mul3A_64 : i32
      %swap3A = arith.index_cast %mul3A_65 : i32 to index
      %swap3A_66 = tpu.vector_load %arg13[%swap3A] {strides = array<i32>} : memref<5136xf32, #tpu.memory_space<vmem>>, vector<16xf32>,
      tpu.vector_store %arg13[%swap3A], %broadcast_in_dim3A_5 {strides = array<i32>} : memref<5136xf32, #tpu.memory_space<vmem>>, vector<16xf32>,
      %scan3A_67 = arith.constant 0 : i32
      scf.yield %scan3A_67 : i32
    }
    %scan3A_18 = arith.constant 321 : i32
    %scan3A_19 = arith.constant 0 : i32
    %scan3A_20 = arith.constant 0 : i32
    %scan3A_21 = arith.constant 640 : i32
    %scan3A_22 = arith.addi %scan3A_20, %scan3A_21 : i32
    %scan3A_23 = arith.constant 1 : i32
    %scan3A_24 = scf.for %scan3A_62 = %scan3A_20 to %scan3A_22 step %scan3A_23 iter_args(%scan3A_63 = %scan3A_19) -> (i32)  : i32 {
      %mul3A_64 = arith.constant 16 : i32
      %mul3A_65 = arith.muli %scan3A_62, %mul3A_64 : i32
      %get3A = arith.index_cast %mul3A_65 : i32 to index
      %get3A_66 = tpu.vector_load %arg8[%get3A] {strides = array<i32>} : memref<10256xi32, #tpu.memory_space<vmem>>, vector<16xi32>,
      %shift_right_logical3A = arith.constant 8 : i32
      %shift_right_logical3A_67 = vector.broadcast %shift_right_logical3A : i32 to vector<16xi32>
      %shift_right_logical3A_68 = arith.shrui %get3A_66, %shift_right_logical3A_67 : vector<16xi32>
      %and3A = arith.constant 255 : i32
      %and3A_69 = vector.broadcast %and3A : i32 to vector<16xi32>
      %and3A_70 = arith.andi %shift_right_logical3A_68, %and3A_69 : vector<16xi32>
      %shift_right_logical3A_71 = arith.constant 24 : i32
      %shift_right_logical3A_72 = vector.broadcast %shift_right_logical3A_71 : i32 to vector<16xi32>
      %shift_right_logical3A_73 = arith.shrui %get3A_66, %shift_right_logical3A_72 : vector<16xi32>
      %and3A_74 = arith.constant 255 : i32
      %and3A_75 = vector.broadcast %and3A_74 : i32 to vector<16xi32>
      %and3A_76 = arith.andi %shift_right_logical3A_73, %and3A_75 : vector<16xi32>
      %add3A_77 = arith.constant 8 : i32
      %add3A_78 = arith.addi %mul3A_2, %add3A_77 : i32
      %lt3A = vector.broadcast %add3A_78 : i32 to vector<16xi32>
      %lt3A_79 = arith.cmpi slt, %and3A_70, %lt3A : vector<16xi32>
      %gt3A = vector.broadcast %mul3A_2 : i32 to vector<16xi32>
      %gt3A_80 = arith.cmpi sgt, %and3A_76, %gt3A : vector<16xi32>
      %and3A_81 = arith.andi %lt3A_79, %gt3A_80 : vector<16xi1>
      %add3A_82 = vector.broadcast %mul3A_65 : i32 to vector<16xi32>
      %add3A_83 = arith.addi %add3A_82, %iota3A : vector<16xi32>
      %swap3A = arith.index_cast %scan3A_63 : i32 to index
      %swap3A_84 = tpu.vector_load %arg14[%swap3A] masked %and3A_81 {strides = array<i32>} : memref<10256xi32, #tpu.memory_space<vmem>>, vector<16xi32>, vector<16xi1>
      tpu.vector_store %arg14[%swap3A], %add3A_83 masked %and3A_81 {strides = array<i32>} : memref<10256xi32, #tpu.memory_space<vmem>>, vector<16xi32>, vector<16xi1>
      %all_reduce_population_count3A = tpu.all_reduce %and3A_81 {dim = 0 : i64, kind = #tpu.reduction_kind<sum>} : vector<16xi1> -> vector<16xi32>
      %slice3A = vector.extract_strided_slice %all_reduce_population_count3A {offsets = [0], sizes = [1], strides = [1]} : vector<16xi32> to vector<1xi32>
      %squeeze3A = vector.extract %slice3A[0] : i32 from vector<1xi32>
      %add3A_85 = arith.addi %scan3A_63, %squeeze3A : i32
      scf.yield %add3A_85 : i32
    }
    %scan3A_25 = arith.constant 640 : i32
    %scan3A_26 = arith.constant 0 : i32
    %scan3A_27 = arith.constant 0 : i32
    %scan3A_28 = arith.constant 320 : i32
    %scan3A_29 = arith.addi %scan3A_27, %scan3A_28 : i32
    %scan3A_30 = arith.constant 1 : i32
    %scan3A_31 = scf.for %scan3A_62 = %scan3A_27 to %scan3A_29 step %scan3A_30 iter_args(%scan3A_63 = %scan3A_26) -> (i32)  : i32 {
      %mul3A_64 = arith.constant 16 : i32
      %mul3A_65 = arith.muli %scan3A_62, %mul3A_64 : i32
      %get3A = arith.index_cast %mul3A_65 : i32 to index
      %get3A_66 = tpu.vector_load %arg11[%get3A] {strides = array<i32>} : memref<5136xi32, #tpu.memory_space<vmem>>, vector<16xi32>,
      %mul3A_67 = arith.constant 16 : i32
      %mul3A_68 = arith.muli %scan3A_62, %mul3A_67 : i32
      %get3A_69 = arith.index_cast %mul3A_68 : i32 to index
      %get3A_70 = tpu.vector_load %arg10[%get3A_69] {strides = array<i32>} : memref<5136xf32, #tpu.memory_space<vmem>>, vector<16xf32>,
      %ge3A = arith.constant 0.000000e+00 : f32
      %ge3A_71 = vector.broadcast %ge3A : f32 to vector<16xf32>
      %ge3A_72 = arith.cmpf oge, %get3A_70, %ge3A_71 : vector<16xf32>
      %jit3A = arith.constant 5120 : i32
      %broadcast_in_dim3A_73 = vector.broadcast %jit3A : i32 to vector<16xi32>
      %select_n3A = arith.select %ge3A_72, %get3A_66, %broadcast_in_dim3A_73 : vector<16xi1>, vector<16xi32>
      %masked_sort3A = arith.constant dense<true> : vector<16xi1>
      %masked_sort3A_74 = arith.constant -2147483648 : i32
      %masked_sort3A_75 = vector.broadcast %masked_sort3A_74 : i32 to vector<16xi32>
      %masked_sort3A_76 = arith.xori %select_n3A, %masked_sort3A_75 : vector<16xi32>
      %masked_sort3A_77, %masked_sort3A_78, %masked_sort3A_79 = tpu.sort %masked_sort3A_76, %get3A_70 masked %masked_sort3A : (vector<16xi32>, vector<16xf32>, vector<16xi1>) -> (vector<16xi1>, vector<16xi32>, vector<16xf32>)
      %masked_sort3A_80 = arith.xori %masked_sort3A_78, %masked_sort3A_75 : vector<16xi32>
      %swap3A = arith.constant 0 : index
      %swap3A_81 = tpu.vector_load %arg15[%swap3A] {strides = array<i32>} : memref<16xi32, #tpu.memory_space<vmem>>, vector<16xi32>,
      tpu.vector_store %arg15[%swap3A], %masked_sort3A_80 {strides = array<i32>} : memref<16xi32, #tpu.memory_space<vmem>>, vector<16xi32>,
      %swap3A_82 = arith.constant 0 : index
      %swap3A_83 = tpu.vector_load %arg16[%swap3A_82] {strides = array<i32>} : memref<16xf32, #tpu.memory_space<vmem>>, vector<16xf32>,
      tpu.vector_store %arg16[%swap3A_82], %masked_sort3A_79 {strides = array<i32>} : memref<16xf32, #tpu.memory_space<vmem>>, vector<16xf32>,
      %sub3A = arith.constant 1 : i32
      %sub3A_84 = vector.broadcast %sub3A : i32 to vector<16xi32>
      %sub3A_85 = arith.subi %iota3A, %sub3A_84 : vector<16xi32>
      %max3A = arith.constant 0 : i32
      %max3A_86 = vector.broadcast %max3A : i32 to vector<16xi32>
      %max3A_87 = arith.maxsi %sub3A_85, %max3A_86 : vector<16xi32>
      %gather3A = tpu.vector_load_idx %arg15[%max3A_87] : memref<16xi32, #tpu.memory_space<vmem>>[vector<16xi32>], vector<16xi32>,
      %gather3A_88 = tpu.vector_load_idx %arg16[%max3A_87] : memref<16xf32, #tpu.memory_space<vmem>>[vector<16xi32>], vector<16xf32>,
      %ge3A_89 = arith.constant 1 : i32
      %ge3A_90 = vector.broadcast %ge3A_89 : i32 to vector<16xi32>
      %ge3A_91 = arith.cmpi sge, %iota3A, %ge3A_90 : vector<16xi32>
      %eq3A = arith.cmpi eq, %gather3A, %masked_sort3A_80 : vector<16xi32>
      %and3A = arith.andi %ge3A_91, %eq3A : vector<16xi1>
      %max3A_92 = arith.maximumf %masked_sort3A_79, %gather3A_88 : vector<16xf32>
      %select_n3A_93 = arith.select %and3A, %max3A_92, %masked_sort3A_79 : vector<16xi1>, vector<16xf32>
      %swap3A_94 = arith.constant 0 : index
      %swap3A_95 = tpu.vector_load %arg16[%swap3A_94] {strides = array<i32>} : memref<16xf32, #tpu.memory_space<vmem>>, vector<16xf32>,
      tpu.vector_store %arg16[%swap3A_94], %select_n3A_93 {strides = array<i32>} : memref<16xf32, #tpu.memory_space<vmem>>, vector<16xf32>,
      %sub3A_96 = arith.constant 2 : i32
      %sub3A_97 = vector.broadcast %sub3A_96 : i32 to vector<16xi32>
      %sub3A_98 = arith.subi %iota3A, %sub3A_97 : vector<16xi32>
      %max3A_99 = arith.constant 0 : i32
      %max3A_100 = vector.broadcast %max3A_99 : i32 to vector<16xi32>
      %max3A_101 = arith.maxsi %sub3A_98, %max3A_100 : vector<16xi32>
      %gather3A_102 = tpu.vector_load_idx %arg15[%max3A_101] : memref<16xi32, #tpu.memory_space<vmem>>[vector<16xi32>], vector<16xi32>,
      %gather3A_103 = tpu.vector_load_idx %arg16[%max3A_101] : memref<16xf32, #tpu.memory_space<vmem>>[vector<16xi32>], vector<16xf32>,
      %ge3A_104 = arith.constant 2 : i32
      %ge3A_105 = vector.broadcast %ge3A_104 : i32 to vector<16xi32>
      %ge3A_106 = arith.cmpi sge, %iota3A, %ge3A_105 : vector<16xi32>
      %eq3A_107 = arith.cmpi eq, %gather3A_102, %masked_sort3A_80 : vector<16xi32>
      %and3A_108 = arith.andi %ge3A_106, %eq3A_107 : vector<16xi1>
      %max3A_109 = arith.maximumf %select_n3A_93, %gather3A_103 : vector<16xf32>
      %select_n3A_110 = arith.select %and3A_108, %max3A_109, %select_n3A_93 : vector<16xi1>, vector<16xf32>
      %swap3A_111 = arith.constant 0 : index
      %swap3A_112 = tpu.vector_load %arg16[%swap3A_111] {strides = array<i32>} : memref<16xf32, #tpu.memory_space<vmem>>, vector<16xf32>,
      tpu.vector_store %arg16[%swap3A_111], %select_n3A_110 {strides = array<i32>} : memref<16xf32, #tpu.memory_space<vmem>>, vector<16xf32>,
      %sub3A_113 = arith.constant 4 : i32
      %sub3A_114 = vector.broadcast %sub3A_113 : i32 to vector<16xi32>
      %sub3A_115 = arith.subi %iota3A, %sub3A_114 : vector<16xi32>
      %max3A_116 = arith.constant 0 : i32
      %max3A_117 = vector.broadcast %max3A_116 : i32 to vector<16xi32>
      %max3A_118 = arith.maxsi %sub3A_115, %max3A_117 : vector<16xi32>
      %gather3A_119 = tpu.vector_load_idx %arg15[%max3A_118] : memref<16xi32, #tpu.memory_space<vmem>>[vector<16xi32>], vector<16xi32>,
      %gather3A_120 = tpu.vector_load_idx %arg16[%max3A_118] : memref<16xf32, #tpu.memory_space<vmem>>[vector<16xi32>], vector<16xf32>,
      %ge3A_121 = arith.constant 4 : i32
      %ge3A_122 = vector.broadcast %ge3A_121 : i32 to vector<16xi32>
      %ge3A_123 = arith.cmpi sge, %iota3A, %ge3A_122 : vector<16xi32>
      %eq3A_124 = arith.cmpi eq, %gather3A_119, %masked_sort3A_80 : vector<16xi32>
      %and3A_125 = arith.andi %ge3A_123, %eq3A_124 : vector<16xi1>
      %max3A_126 = arith.maximumf %select_n3A_110, %gather3A_120 : vector<16xf32>
      %select_n3A_127 = arith.select %and3A_125, %max3A_126, %select_n3A_110 : vector<16xi1>, vector<16xf32>
      %swap3A_128 = arith.constant 0 : index
      %swap3A_129 = tpu.vector_load %arg16[%swap3A_128] {strides = array<i32>} : memref<16xf32, #tpu.memory_space<vmem>>, vector<16xf32>,
      tpu.vector_store %arg16[%swap3A_128], %select_n3A_127 {strides = array<i32>} : memref<16xf32, #tpu.memory_space<vmem>>, vector<16xf32>,
      %sub3A_130 = arith.constant 8 : i32
      %sub3A_131 = vector.broadcast %sub3A_130 : i32 to vector<16xi32>
      %sub3A_132 = arith.subi %iota3A, %sub3A_131 : vector<16xi32>
      %max3A_133 = arith.constant 0 : i32
      %max3A_134 = vector.broadcast %max3A_133 : i32 to vector<16xi32>
      %max3A_135 = arith.maxsi %sub3A_132, %max3A_134 : vector<16xi32>
      %gather3A_136 = tpu.vector_load_idx %arg15[%max3A_135] : memref<16xi32, #tpu.memory_space<vmem>>[vector<16xi32>], vector<16xi32>,
      %gather3A_137 = tpu.vector_load_idx %arg16[%max3A_135] : memref<16xf32, #tpu.memory_space<vmem>>[vector<16xi32>], vector<16xf32>,
      %ge3A_138 = arith.constant 8 : i32
      %ge3A_139 = vector.broadcast %ge3A_138 : i32 to vector<16xi32>
      %ge3A_140 = arith.cmpi sge, %iota3A, %ge3A_139 : vector<16xi32>
      %eq3A_141 = arith.cmpi eq, %gather3A_136, %masked_sort3A_80 : vector<16xi32>
      %and3A_142 = arith.andi %ge3A_140, %eq3A_141 : vector<16xi1>
      %max3A_143 = arith.maximumf %select_n3A_127, %gather3A_137 : vector<16xf32>
      %select_n3A_144 = arith.select %and3A_142, %max3A_143, %select_n3A_127 : vector<16xi1>, vector<16xf32>
      %add3A_145 = arith.constant 1 : i32
      %add3A_146 = vector.broadcast %add3A_145 : i32 to vector<16xi32>
      %add3A_147 = arith.addi %iota3A, %add3A_146 : vector<16xi32>
      %min3A = arith.constant 15 : i32
      %min3A_148 = vector.broadcast %min3A : i32 to vector<16xi32>
      %min3A_149 = arith.minsi %add3A_147, %min3A_148 : vector<16xi32>
      %gather3A_150 = tpu.vector_load_idx %arg15[%min3A_149] : memref<16xi32, #tpu.memory_space<vmem>>[vector<16xi32>], vector<16xi32>,
      %eq3A_151 = arith.constant 15 : i32
      %eq3A_152 = vector.broadcast %eq3A_151 : i32 to vector<16xi32>
      %eq3A_153 = arith.cmpi eq, %iota3A, %eq3A_152 : vector<16xi32>
      %ne3A = arith.cmpi ne, %gather3A_150, %masked_sort3A_80 : vector<16xi32>
      %or3A = arith.ori %eq3A_153, %ne3A : vector<16xi1>
      %lt3A = arith.constant 5120 : i32
      %lt3A_154 = vector.broadcast %lt3A : i32 to vector<16xi32>
      %lt3A_155 = arith.cmpi slt, %masked_sort3A_80, %lt3A_154 : vector<16xi32>
      %and3A_156 = arith.andi %or3A, %lt3A_155 : vector<16xi1>
      %gather3A_157 = tpu.vector_load_idx %arg13[%masked_sort3A_80] : memref<5136xf32, #tpu.memory_space<vmem>>[vector<16xi32>], vector<16xf32>,
      %max3A_158 = arith.maximumf %gather3A_157, %select_n3A_144 : vector<16xf32>
      tpu.vector_store_idx %arg13[%masked_sort3A_80], %max3A_158 masked %and3A_156 : memref<5136xf32, #tpu.memory_space<vmem>>[vector<16xi32>], vector<16xf32>, vector<16xi1>
      %scan3A_159 = arith.constant 0 : i32
      scf.yield %scan3A_159 : i32
    }
    %scan3A_32 = arith.constant 320 : i32
    %scan3A_33 = arith.constant 0 : i32
    %scan3A_34 = arith.constant 0 : i32
    %scan3A_35 = arith.constant 320 : i32
    %scan3A_36 = arith.addi %scan3A_34, %scan3A_35 : i32
    %scan3A_37 = arith.constant 1 : i32
    %scan3A_38 = scf.for %scan3A_62 = %scan3A_34 to %scan3A_36 step %scan3A_37 iter_args(%scan3A_63 = %scan3A_33) -> (i32)  : i32 {
      %mul3A_64 = arith.constant 16 : i32
      %mul3A_65 = arith.muli %scan3A_62, %mul3A_64 : i32
      %get3A = arith.index_cast %mul3A_65 : i32 to index
      %get3A_66 = tpu.vector_load %arg13[%get3A] {strides = array<i32>} : memref<5136xf32, #tpu.memory_space<vmem>>, vector<16xf32>,
      %mul3A_67 = arith.constant 16 : i32
      %mul3A_68 = arith.muli %scan3A_62, %mul3A_67 : i32
      %get3A_69 = arith.index_cast %mul3A_68 : i32 to index
      %get3A_70 = tpu.vector_load %arg12[%get3A_69] {strides = array<i32>} : memref<5120xf32, #tpu.memory_space<vmem>>, vector<16xf32>,
      %ge3A = arith.constant 0.000000e+00 : f32
      %ge3A_71 = vector.broadcast %ge3A : f32 to vector<16xf32>
      %ge3A_72 = arith.cmpf oge, %get3A_66, %ge3A_71 : vector<16xf32>
      %mul3A_73 = arith.mulf %get3A_66, %get3A_70 : vector<16xf32>
      %select_n3A = arith.select %ge3A_72, %mul3A_73, %get3A_70 : vector<16xi1>, vector<16xf32>
      %mul3A_74 = arith.constant 16 : i32
      %mul3A_75 = arith.muli %scan3A_62, %mul3A_74 : i32
      %add3A_76 = arith.constant 5120 : i32
      %add3A_77 = arith.addi %add3A_76, %mul3A_75 : i32
      %swap3A = arith.index_cast %add3A_77 : i32 to index
      %swap3A_78 = tpu.vector_load %arg9[%swap3A] {strides = array<i32>} : memref<10256xf32, #tpu.memory_space<vmem>>, vector<16xf32>,
      tpu.vector_store %arg9[%swap3A], %select_n3A {strides = array<i32>} : memref<10256xf32, #tpu.memory_space<vmem>>, vector<16xf32>,
      %scan3A_79 = arith.constant 0 : i32
      scf.yield %scan3A_79 : i32
    }
    %scan3A_39 = arith.constant 320 : i32
    %while3A = arith.constant 0 : i32
    %while3A_40 = arith.constant 0 : i32
    %while3A_41 = arith.subi %scan3A_24, %while3A : i32
    %while3A_42 = arith.addi %while3A, %while3A_41 : i32
    %while3A_43 = arith.constant 1 : i32
    %while3A_44 = arith.divsi %while3A_41, %while3A_43 : i32
    %while3A_45 = arith.muli %while3A_44, %while3A_43 : i32
    %while3A_46 = arith.addi %while3A, %while3A_45 : i32
    %while3A_47 = arith.constant 1 : i32
    %while3A_48 = scf.for %while3A_62 = %while3A to %while3A_46 step %while3A_47 iter_args(%while3A_63 = %while3A_40) -> (i32)  : i32 {
      %get3A = arith.index_cast %while3A_62 : i32 to index
      %get3A_64 = tpu.vector_load %arg14[%get3A] {strides = array<i32>} : memref<10256xi32, #tpu.memory_space<vmem>>, vector<16xi32>,
      %slice3A = vector.extract_strided_slice %get3A_64 {offsets = [0], sizes = [1], strides = [1]} : vector<16xi32> to vector<1xi32>
      %squeeze3A = vector.extract %slice3A[0] : i32 from vector<1xi32>
      %get3A_65 = arith.index_cast %squeeze3A : i32 to index
      %get3A_66 = tpu.vector_load %arg8[%get3A_65] {strides = array<i32>} : memref<10256xi32, #tpu.memory_space<vmem>>, vector<16xi32>,
      %slice3A_67 = vector.extract_strided_slice %get3A_66 {offsets = [0], sizes = [1], strides = [1]} : vector<16xi32> to vector<1xi32>
      %squeeze3A_68 = vector.extract %slice3A_67[0] : i32 from vector<1xi32>
      %and3A = arith.constant 255 : i32
      %and3A_69 = arith.andi %squeeze3A_68, %and3A : i32
      %shift_right_logical3A = arith.constant 8 : i32
      %shift_right_logical3A_70 = arith.shrui %squeeze3A_68, %shift_right_logical3A : i32
      %and3A_71 = arith.constant 255 : i32
      %and3A_72 = arith.andi %shift_right_logical3A_70, %and3A_71 : i32
      %shift_right_logical3A_73 = arith.constant 16 : i32
      %shift_right_logical3A_74 = arith.shrui %squeeze3A_68, %shift_right_logical3A_73 : i32
      %and3A_75 = arith.constant 255 : i32
      %and3A_76 = arith.andi %shift_right_logical3A_74, %and3A_75 : i32
      %shift_right_logical3A_77 = arith.constant 24 : i32
      %shift_right_logical3A_78 = arith.shrui %squeeze3A_68, %shift_right_logical3A_77 : i32
      %and3A_79 = arith.constant 255 : i32
      %and3A_80 = arith.andi %shift_right_logical3A_78, %and3A_79 : i32
      %get3A_81 = arith.index_cast %squeeze3A : i32 to index
      %get3A_82 = tpu.vector_load %arg9[%get3A_81] {strides = array<i32>} : memref<10256xf32, #tpu.memory_space<vmem>>, vector<16xf32>,
      %slice3A_83 = vector.extract_strided_slice %get3A_82 {offsets = [0], sizes = [1], strides = [1]} : vector<16xf32> to vector<1xf32>
      %squeeze3A_84 = vector.extract %slice3A_83[0] : f32 from vector<1xf32>
      %max3A = arith.maxsi %and3A_72, %mul3A_2 : i32
      %add3A_85 = arith.constant 8 : i32
      %add3A_86 = arith.addi %mul3A_2, %add3A_85 : i32
      %min3A = arith.minsi %and3A_80, %add3A_86 : i32
      %add3A_87 = vector.broadcast %and3A_69 : i32 to vector<16xi32>
      %add3A_88 = arith.addi %add3A_87, %iota3A : vector<16xi32>
      %lt3A = vector.broadcast %and3A_76 : i32 to vector<16xi32>
      %lt3A_89 = arith.cmpi slt, %add3A_88, %lt3A : vector<16xi32>
      %while3A_90 = arith.constant 0 : i32
      %while3A_91 = arith.subi %min3A, %max3A : i32
      %while3A_92 = arith.addi %max3A, %while3A_91 : i32
      %while3A_93 = arith.constant 1 : i32
      %while3A_94 = arith.divsi %while3A_91, %while3A_93 : i32
      %while3A_95 = arith.muli %while3A_94, %while3A_93 : i32
      %while3A_96 = arith.addi %max3A, %while3A_95 : i32
      %while3A_97 = arith.constant 1 : i32
      %while3A_98 = scf.for %while3A_102 = %max3A to %while3A_96 step %while3A_97 iter_args(%while3A_103 = %while3A_90) -> (i32)  : i32 {
        %sub3A = arith.subi %while3A_102, %mul3A_2 : i32
        %mul3A_104 = arith.constant 256 : i32
        %mul3A_105 = arith.muli %sub3A, %mul3A_104 : i32
        %add3A_106 = arith.addi %mul3A_105, %and3A_69 : i32
        %add3A_107 = vector.broadcast %add3A_106 : i32 to vector<16xi32>
        %add3A_108 = arith.addi %add3A_107, %iota3A : vector<16xi32>
        %gather3A = tpu.vector_load_idx %arg17[%add3A_108] : memref<2048xf32, #tpu.memory_space<vmem>>[vector<16xi32>], vector<16xf32>,
        %max3A_109 = vector.broadcast %squeeze3A_84 : f32 to vector<16xf32>
        %max3A_110 = arith.maximumf %gather3A, %max3A_109 : vector<16xf32>
        tpu.vector_store_idx %arg17[%add3A_108], %max3A_110 masked %lt3A_89 : memref<2048xf32, #tpu.memory_space<vmem>>[vector<16xi32>], vector<16xf32>, vector<16xi1>
        %while3A_111 = arith.constant 0 : i32
        scf.yield %while3A_111 : i32
      }
      %while3A_99 = arith.constant 1 : i32
      %while3A_100 = scf.for %while3A_102 = %while3A_96 to %while3A_92 step %while3A_99 iter_args(%while3A_103 = %while3A_98) -> (i32)  : i32 {
        %sub3A = arith.subi %while3A_102, %mul3A_2 : i32
        %mul3A_104 = arith.constant 256 : i32
        %mul3A_105 = arith.muli %sub3A, %mul3A_104 : i32
        %add3A_106 = arith.addi %mul3A_105, %and3A_69 : i32
        %add3A_107 = vector.broadcast %add3A_106 : i32 to vector<16xi32>
        %add3A_108 = arith.addi %add3A_107, %iota3A : vector<16xi32>
        %gather3A = tpu.vector_load_idx %arg17[%add3A_108] : memref<2048xf32, #tpu.memory_space<vmem>>[vector<16xi32>], vector<16xf32>,
        %max3A_109 = vector.broadcast %squeeze3A_84 : f32 to vector<16xf32>
        %max3A_110 = arith.maximumf %gather3A, %max3A_109 : vector<16xf32>
        tpu.vector_store_idx %arg17[%add3A_108], %max3A_110 masked %lt3A_89 : memref<2048xf32, #tpu.memory_space<vmem>>[vector<16xi32>], vector<16xf32>, vector<16xi1>
        %while3A_111 = arith.constant 0 : i32
        scf.yield %while3A_111 : i32
      }
      %while3A_101 = arith.constant 0 : i32
      scf.yield %while3A_101 : i32
    }
    %while3A_49 = arith.constant 1 : i32
    %while3A_50 = scf.for %while3A_62 = %while3A_46 to %while3A_42 step %while3A_49 iter_args(%while3A_63 = %while3A_48) -> (i32)  : i32 {
      %get3A = arith.index_cast %while3A_62 : i32 to index
      %get3A_64 = tpu.vector_load %arg14[%get3A] {strides = array<i32>} : memref<10256xi32, #tpu.memory_space<vmem>>, vector<16xi32>,
      %slice3A = vector.extract_strided_slice %get3A_64 {offsets = [0], sizes = [1], strides = [1]} : vector<16xi32> to vector<1xi32>
      %squeeze3A = vector.extract %slice3A[0] : i32 from vector<1xi32>
      %get3A_65 = arith.index_cast %squeeze3A : i32 to index
      %get3A_66 = tpu.vector_load %arg8[%get3A_65] {strides = array<i32>} : memref<10256xi32, #tpu.memory_space<vmem>>, vector<16xi32>,
      %slice3A_67 = vector.extract_strided_slice %get3A_66 {offsets = [0], sizes = [1], strides = [1]} : vector<16xi32> to vector<1xi32>
      %squeeze3A_68 = vector.extract %slice3A_67[0] : i32 from vector<1xi32>
      %and3A = arith.constant 255 : i32
      %and3A_69 = arith.andi %squeeze3A_68, %and3A : i32
      %shift_right_logical3A = arith.constant 8 : i32
      %shift_right_logical3A_70 = arith.shrui %squeeze3A_68, %shift_right_logical3A : i32
      %and3A_71 = arith.constant 255 : i32
      %and3A_72 = arith.andi %shift_right_logical3A_70, %and3A_71 : i32
      %shift_right_logical3A_73 = arith.constant 16 : i32
      %shift_right_logical3A_74 = arith.shrui %squeeze3A_68, %shift_right_logical3A_73 : i32
      %and3A_75 = arith.constant 255 : i32
      %and3A_76 = arith.andi %shift_right_logical3A_74, %and3A_75 : i32
      %shift_right_logical3A_77 = arith.constant 24 : i32
      %shift_right_logical3A_78 = arith.shrui %squeeze3A_68, %shift_right_logical3A_77 : i32
      %and3A_79 = arith.constant 255 : i32
      %and3A_80 = arith.andi %shift_right_logical3A_78, %and3A_79 : i32
      %get3A_81 = arith.index_cast %squeeze3A : i32 to index
      %get3A_82 = tpu.vector_load %arg9[%get3A_81] {strides = array<i32>} : memref<10256xf32, #tpu.memory_space<vmem>>, vector<16xf32>,
      %slice3A_83 = vector.extract_strided_slice %get3A_82 {offsets = [0], sizes = [1], strides = [1]} : vector<16xf32> to vector<1xf32>
      %squeeze3A_84 = vector.extract %slice3A_83[0] : f32 from vector<1xf32>
      %max3A = arith.maxsi %and3A_72, %mul3A_2 : i32
      %add3A_85 = arith.constant 8 : i32
      %add3A_86 = arith.addi %mul3A_2, %add3A_85 : i32
      %min3A = arith.minsi %and3A_80, %add3A_86 : i32
      %add3A_87 = vector.broadcast %and3A_69 : i32 to vector<16xi32>
      %add3A_88 = arith.addi %add3A_87, %iota3A : vector<16xi32>
      %lt3A = vector.broadcast %and3A_76 : i32 to vector<16xi32>
      %lt3A_89 = arith.cmpi slt, %add3A_88, %lt3A : vector<16xi32>
      %while3A_90 = arith.constant 0 : i32
      %while3A_91 = arith.subi %min3A, %max3A : i32
      %while3A_92 = arith.addi %max3A, %while3A_91 : i32
      %while3A_93 = arith.constant 1 : i32
      %while3A_94 = arith.divsi %while3A_91, %while3A_93 : i32
      %while3A_95 = arith.muli %while3A_94, %while3A_93 : i32
      %while3A_96 = arith.addi %max3A, %while3A_95 : i32
      %while3A_97 = arith.constant 1 : i32
      %while3A_98 = scf.for %while3A_102 = %max3A to %while3A_96 step %while3A_97 iter_args(%while3A_103 = %while3A_90) -> (i32)  : i32 {
        %sub3A = arith.subi %while3A_102, %mul3A_2 : i32
        %mul3A_104 = arith.constant 256 : i32
        %mul3A_105 = arith.muli %sub3A, %mul3A_104 : i32
        %add3A_106 = arith.addi %mul3A_105, %and3A_69 : i32
        %add3A_107 = vector.broadcast %add3A_106 : i32 to vector<16xi32>
        %add3A_108 = arith.addi %add3A_107, %iota3A : vector<16xi32>
        %gather3A = tpu.vector_load_idx %arg17[%add3A_108] : memref<2048xf32, #tpu.memory_space<vmem>>[vector<16xi32>], vector<16xf32>,
        %max3A_109 = vector.broadcast %squeeze3A_84 : f32 to vector<16xf32>
        %max3A_110 = arith.maximumf %gather3A, %max3A_109 : vector<16xf32>
        tpu.vector_store_idx %arg17[%add3A_108], %max3A_110 masked %lt3A_89 : memref<2048xf32, #tpu.memory_space<vmem>>[vector<16xi32>], vector<16xf32>, vector<16xi1>
        %while3A_111 = arith.constant 0 : i32
        scf.yield %while3A_111 : i32
      }
      %while3A_99 = arith.constant 1 : i32
      %while3A_100 = scf.for %while3A_102 = %while3A_96 to %while3A_92 step %while3A_99 iter_args(%while3A_103 = %while3A_98) -> (i32)  : i32 {
        %sub3A = arith.subi %while3A_102, %mul3A_2 : i32
        %mul3A_104 = arith.constant 256 : i32
        %mul3A_105 = arith.muli %sub3A, %mul3A_104 : i32
        %add3A_106 = arith.addi %mul3A_105, %and3A_69 : i32
        %add3A_107 = vector.broadcast %add3A_106 : i32 to vector<16xi32>
        %add3A_108 = arith.addi %add3A_107, %iota3A : vector<16xi32>
        %gather3A = tpu.vector_load_idx %arg17[%add3A_108] : memref<2048xf32, #tpu.memory_space<vmem>>[vector<16xi32>], vector<16xf32>,
        %max3A_109 = vector.broadcast %squeeze3A_84 : f32 to vector<16xf32>
        %max3A_110 = arith.maximumf %gather3A, %max3A_109 : vector<16xf32>
        tpu.vector_store_idx %arg17[%add3A_108], %max3A_110 masked %lt3A_89 : memref<2048xf32, #tpu.memory_space<vmem>>[vector<16xi32>], vector<16xf32>, vector<16xi1>
        %while3A_111 = arith.constant 0 : i32
        scf.yield %while3A_111 : i32
      }
      %while3A_101 = arith.constant 0 : i32
      scf.yield %while3A_101 : i32
    }
    %scan3A_51 = arith.constant 0 : i32
    %scan3A_52 = arith.constant 0 : i32
    %scan3A_53 = arith.constant 8 : i32
    %scan3A_54 = arith.addi %scan3A_52, %scan3A_53 : i32
    %scan3A_55 = arith.constant 1 : i32
    %scan3A_56 = scf.for %scan3A_62 = %scan3A_52 to %scan3A_54 step %scan3A_55 iter_args(%scan3A_63 = %scan3A_51) -> (i32)  : i32 {
      %scan3A_64 = arith.constant 0 : i32
      %scan3A_65 = arith.constant 0 : i32
      %scan3A_66 = arith.constant 32 : i32
      %scan3A_67 = arith.addi %scan3A_65, %scan3A_66 : i32
      %scan3A_68 = arith.constant 1 : i32
      %scan3A_69 = scf.for %scan3A_72 = %scan3A_65 to %scan3A_67 step %scan3A_68 iter_args(%scan3A_73 = %scan3A_64) -> (i32)  : i32 {
        %mul3A_74 = arith.constant 256 : i32
        %mul3A_75 = arith.muli %scan3A_62, %mul3A_74 : i32
        %mul3A_76 = arith.constant 16 : i32
        %mul3A_77 = arith.muli %scan3A_72, %mul3A_76 : i32
        %add3A_78 = vector.broadcast %mul3A_77 : i32 to vector<16xi32>
        %add3A_79 = arith.addi %add3A_78, %iota3A : vector<16xi32>
        %shift_right_logical3A = arith.constant 1 : i32
        %shift_right_logical3A_80 = vector.broadcast %shift_right_logical3A : i32 to vector<16xi32>
        %shift_right_logical3A_81 = arith.shrui %add3A_79, %shift_right_logical3A_80 : vector<16xi32>
        %add3A_82 = vector.broadcast %mul3A_75 : i32 to vector<16xi32>
        %add3A_83 = arith.addi %add3A_82, %shift_right_logical3A_81 : vector<16xi32>
        %gather3A = tpu.vector_load_idx %arg17[%add3A_83] : memref<2048xf32, #tpu.memory_space<vmem>>[vector<16xi32>], vector<16xf32>,
        %mul3A_84 = arith.constant 4 : i32
        %mul3A_85 = arith.muli %scan3A_62, %mul3A_84 : i32
        %mul3A_86 = arith.constant 256 : i32
        %mul3A_87 = arith.muli %mul3A_85, %mul3A_86 : i32
        %mul3A_88 = arith.constant 16 : i32
        %mul3A_89 = arith.muli %scan3A_72, %mul3A_88 : i32
        %add3A_90 = arith.addi %mul3A_87, %mul3A_89 : i32
        %swap3A = arith.index_cast %add3A_90 : i32 to index
        %swap3A_91 = tpu.vector_load %arg18[%swap3A] {strides = array<i32>} : memref<8192xf32, #tpu.memory_space<vmem>>, vector<16xf32>,
        tpu.vector_store %arg18[%swap3A], %gather3A {strides = array<i32>} : memref<8192xf32, #tpu.memory_space<vmem>>, vector<16xf32>,
        %mul3A_92 = arith.constant 4 : i32
        %mul3A_93 = arith.muli %scan3A_62, %mul3A_92 : i32
        %mul3A_94 = arith.constant 256 : i32
        %mul3A_95 = arith.muli %mul3A_93, %mul3A_94 : i32
        %add3A_96 = arith.constant 512 : i32
        %add3A_97 = arith.addi %mul3A_95, %add3A_96 : i32
        %mul3A_98 = arith.constant 16 : i32
        %mul3A_99 = arith.muli %scan3A_72, %mul3A_98 : i32
        %add3A_100 = arith.addi %add3A_97, %mul3A_99 : i32
        %swap3A_101 = arith.index_cast %add3A_100 : i32 to index
        %swap3A_102 = tpu.vector_load %arg18[%swap3A_101] {strides = array<i32>} : memref<8192xf32, #tpu.memory_space<vmem>>, vector<16xf32>,
        tpu.vector_store %arg18[%swap3A_101], %gather3A {strides = array<i32>} : memref<8192xf32, #tpu.memory_space<vmem>>, vector<16xf32>,
        %scan3A_103 = arith.constant 0 : i32
        scf.yield %scan3A_103 : i32
      }
      %scan3A_70 = arith.constant 32 : i32
      %scan3A_71 = arith.constant 0 : i32
      scf.yield %scan3A_71 : i32
    }
    %scan3A_57 = arith.constant 8 : i32
    %mul3A_58 = arith.constant 4 : i32
    %mul3A_59 = arith.muli %add3A, %mul3A_58 : i32
    %mul3A_60 = arith.constant 2048 : i32
    %mul3A_61 = arith.muli %mul3A_59, %mul3A_60 : i32
    "tpu.region"() ({
      %run_scoped3A = tpu.sem_alloc : memref<!tpu.dma_semaphore, #tpu.memory_space<semaphore_mem>>
      %dma_start3A = tpu.memref_slice %arg7[%mul3A_61] : memref<262144xf32, #tpu.memory_space<hbm>> -> memref<8192xf32, #tpu.memory_space<hbm>>
      %dma_start3A_62 = tpu.memref_slice %arg7[%mul3A_61] : memref<262144xf32, #tpu.memory_space<hbm>> -> memref<8192xf32, #tpu.memory_space<hbm>>
      tpu.enqueue_dma source(%arg18 : memref<8192xf32, #tpu.memory_space<vmem>>) target(%dma_start3A_62 : memref<8192xf32, #tpu.memory_space<hbm>>) target_semaphore(%run_scoped3A : memref<!tpu.dma_semaphore, #tpu.memory_space<semaphore_mem>>)
      %dma_wait3A = tpu.memref_slice %arg7[%mul3A_61] : memref<262144xf32, #tpu.memory_space<hbm>> -> memref<8192xf32, #tpu.memory_space<hbm>>
      %dma_wait3A_63 = tpu.memref_slice %arg7[%mul3A_61] : memref<262144xf32, #tpu.memory_space<hbm>> -> memref<8192xf32, #tpu.memory_space<hbm>>
      tpu.wait_dma2 semaphore(%run_scoped3A : memref<!tpu.dma_semaphore, #tpu.memory_space<semaphore_mem>>) src(%arg18 : memref<8192xf32, #tpu.memory_space<vmem>>) dst(%dma_wait3A_63 : memref<8192xf32, #tpu.memory_space<hbm>>)
      tpu.yield
    }) : () -> ()
    return
  }
}

module attributes {stable_mosaic.version = 14 : i64} {
  func.func @_match_body(%arg0: i32, %arg1: memref<1x1x128xf32, #tpu.memory_space<vmem>>, %arg2: memref<1x1x128xf32, #tpu.memory_space<vmem>>, %arg3: memref<1x1x128xf32, #tpu.memory_space<vmem>>, %arg4: memref<1x1x128xf32, #tpu.memory_space<vmem>>, %arg5: memref<1x1x128xf32, #tpu.memory_space<vmem>>, %arg6: memref<1x1x128xf32, #tpu.memory_space<vmem>>, %arg7: memref<40x128xf32, #tpu.memory_space<vmem>>, %arg8: memref<40x128xf32, #tpu.memory_space<vmem>>, %arg9: memref<40x128xf32, #tpu.memory_space<vmem>>, %arg10: memref<40x128xf32, #tpu.memory_space<vmem>>, %arg11: memref<40x128xf32, #tpu.memory_space<vmem>>, %arg12: memref<1x1x128xf32, #tpu.memory_space<vmem>>, %arg13: memref<1x1x128xf32, #tpu.memory_space<vmem>>, %arg14: memref<1x1x128xi32, #tpu.memory_space<vmem>>) attributes {dimension_semantics = [#tpu.dimension_semantics<parallel>], iteration_bounds = array<i64: 40>, scalar_prefetch = 0 : i64, scratch_operands = 0 : i64, tpu.core_type = #tpu.core_type<tc>, window_params = [{transform_indices = @transform_0, window_bounds = array<i64: 1, 1, 128>}, {transform_indices = @transform_1, window_bounds = array<i64: 1, 1, 128>}, {transform_indices = @transform_2, window_bounds = array<i64: 1, 1, 128>}, {transform_indices = @transform_3, window_bounds = array<i64: 1, 1, 128>}, {transform_indices = @transform_4, window_bounds = array<i64: 1, 1, 128>}, {transform_indices = @transform_5, window_bounds = array<i64: 1, 1, 128>}, {pipeline_mode = #tpu.pipeline_mode<synchronous>, transform_indices = @transform_6, window_bounds = array<i64: 40, 128>}, {pipeline_mode = #tpu.pipeline_mode<synchronous>, transform_indices = @transform_7, window_bounds = array<i64: 40, 128>}, {pipeline_mode = #tpu.pipeline_mode<synchronous>, transform_indices = @transform_8, window_bounds = array<i64: 40, 128>}, {pipeline_mode = #tpu.pipeline_mode<synchronous>, transform_indices = @transform_9, window_bounds = array<i64: 40, 128>}, {pipeline_mode = #tpu.pipeline_mode<synchronous>, transform_indices = @transform_10, window_bounds = array<i64: 40, 128>}, {transform_indices = @transform_11, window_bounds = array<i64: 1, 1, 128>}, {transform_indices = @transform_12, window_bounds = array<i64: 1, 1, 128>}, {transform_indices = @transform_13, window_bounds = array<i64: 1, 1, 128>}]} {
    %get3A = arith.constant 0 : index
    %get3A_0 = arith.constant 0 : index
    %get3A_1 = arith.constant 0 : index
    %get3A_2 = vector.load %arg1[%get3A, %get3A_0, %get3A_1] : memref<1x1x128xf32, #tpu.memory_space<vmem>>, vector<1x1x128xf32>
    %reshape3A = vector.shape_cast %get3A_2 : vector<1x1x128xf32> to vector<128x1xf32>
    %get3A_3 = arith.constant 0 : index
    %get3A_4 = arith.constant 0 : index
    %get3A_5 = arith.constant 0 : index
    %get3A_6 = vector.load %arg2[%get3A_3, %get3A_4, %get3A_5] : memref<1x1x128xf32, #tpu.memory_space<vmem>>, vector<1x1x128xf32>
    %reshape3A_7 = vector.shape_cast %get3A_6 : vector<1x1x128xf32> to vector<128x1xf32>
    %get3A_8 = arith.constant 0 : index
    %get3A_9 = arith.constant 0 : index
    %get3A_10 = arith.constant 0 : index
    %get3A_11 = vector.load %arg3[%get3A_8, %get3A_9, %get3A_10] : memref<1x1x128xf32, #tpu.memory_space<vmem>>, vector<1x1x128xf32>
    %reshape3A_12 = vector.shape_cast %get3A_11 : vector<1x1x128xf32> to vector<128x1xf32>
    %get3A_13 = arith.constant 0 : index
    %get3A_14 = arith.constant 0 : index
    %get3A_15 = arith.constant 0 : index
    %get3A_16 = vector.load %arg4[%get3A_13, %get3A_14, %get3A_15] : memref<1x1x128xf32, #tpu.memory_space<vmem>>, vector<1x1x128xf32>
    %reshape3A_17 = vector.shape_cast %get3A_16 : vector<1x1x128xf32> to vector<128x1xf32>
    %get3A_18 = arith.constant 0 : index
    %get3A_19 = arith.constant 0 : index
    %get3A_20 = arith.constant 0 : index
    %get3A_21 = vector.load %arg5[%get3A_18, %get3A_19, %get3A_20] : memref<1x1x128xf32, #tpu.memory_space<vmem>>, vector<1x1x128xf32>
    %reshape3A_22 = vector.shape_cast %get3A_21 : vector<1x1x128xf32> to vector<128x1xf32>
    %sub3A = arith.subf %reshape3A_12, %reshape3A : vector<128x1xf32>
    %sub3A_23 = arith.subf %reshape3A_17, %reshape3A_7 : vector<128x1xf32>
    %mul3A = arith.mulf %sub3A, %sub3A_23 : vector<128x1xf32>
    %iota3A = tpu.iota {dimensions = array<i32: 1>} : vector<1x128xi32>
    %convert_element_type3A = arith.sitofp %iota3A : vector<1x128xi32> to vector<1x128xf32>
    %broadcast_in_dim3A = arith.constant -3.000000e+00 : f32
    %broadcast_in_dim3A_24 = vector.broadcast %broadcast_in_dim3A : f32 to vector<128x128xf32>
    %broadcast_in_dim3A_25 = arith.constant 1.000000e+00 : f32
    %broadcast_in_dim3A_26 = vector.broadcast %broadcast_in_dim3A_25 : f32 to vector<128x128xf32>
    %broadcast_in_dim3A_27 = arith.constant 0.000000e+00 : f32
    %broadcast_in_dim3A_28 = vector.broadcast %broadcast_in_dim3A_27 : f32 to vector<128x128xf32>
    %scan3A = arith.constant 0 : i32
    %scan3A_29 = arith.constant 40 : i32
    %scan3A_30 = arith.addi %scan3A, %scan3A_29 : i32
    %scan3A_31 = arith.constant 20 : i32
    %scan3A_32:3 = scf.for %scan3A_76 = %scan3A to %scan3A_30 step %scan3A_31 iter_args(%scan3A_77 = %broadcast_in_dim3A_24, %scan3A_78 = %broadcast_in_dim3A_26, %scan3A_79 = %broadcast_in_dim3A_28) -> (vector<128x128xf32>, vector<128x128xf32>, vector<128x128xf32>)  : i32 {
      %get3A_80 = arith.index_cast %scan3A_76 : i32 to index
      %get3A_81 = arith.constant 0 : index
      %get3A_82 = vector.load %arg7[%get3A_80, %get3A_81] : memref<40x128xf32, #tpu.memory_space<vmem>>, vector<1x128xf32>
      %get3A_83 = arith.index_cast %scan3A_76 : i32 to index
      %get3A_84 = arith.constant 0 : index
      %get3A_85 = vector.load %arg8[%get3A_83, %get3A_84] : memref<40x128xf32, #tpu.memory_space<vmem>>, vector<1x128xf32>
      %get3A_86 = arith.index_cast %scan3A_76 : i32 to index
      %get3A_87 = arith.constant 0 : index
      %get3A_88 = vector.load %arg9[%get3A_86, %get3A_87] : memref<40x128xf32, #tpu.memory_space<vmem>>, vector<1x128xf32>
      %get3A_89 = arith.index_cast %scan3A_76 : i32 to index
      %get3A_90 = arith.constant 0 : index
      %get3A_91 = vector.load %arg10[%get3A_89, %get3A_90] : memref<40x128xf32, #tpu.memory_space<vmem>>, vector<1x128xf32>
      %get3A_92 = arith.index_cast %scan3A_76 : i32 to index
      %get3A_93 = arith.constant 0 : index
      %get3A_94 = vector.load %arg11[%get3A_92, %get3A_93] : memref<40x128xf32, #tpu.memory_space<vmem>>, vector<1x128xf32>
      %min3A = vector.broadcast %reshape3A_12 : vector<128x1xf32> to vector<128x128xf32>
      %min3A_95 = vector.broadcast %get3A_88 : vector<1x128xf32> to vector<128x128xf32>
      %min3A_96 = arith.minimumf %min3A, %min3A_95 : vector<128x128xf32>
      %max3A = vector.broadcast %reshape3A : vector<128x1xf32> to vector<128x128xf32>
      %max3A_97 = vector.broadcast %get3A_82 : vector<1x128xf32> to vector<128x128xf32>
      %max3A_98 = arith.maximumf %max3A, %max3A_97 : vector<128x128xf32>
      %sub3A_99 = arith.subf %min3A_96, %max3A_98 : vector<128x128xf32>
      %max3A_100 = arith.constant 0.000000e+00 : f32
      %max3A_101 = vector.broadcast %max3A_100 : f32 to vector<128x128xf32>
      %max3A_102 = arith.maximumf %sub3A_99, %max3A_101 : vector<128x128xf32>
      %min3A_103 = vector.broadcast %reshape3A_17 : vector<128x1xf32> to vector<128x128xf32>
      %min3A_104 = vector.broadcast %get3A_91 : vector<1x128xf32> to vector<128x128xf32>
      %min3A_105 = arith.minimumf %min3A_103, %min3A_104 : vector<128x128xf32>
      %max3A_106 = vector.broadcast %reshape3A_7 : vector<128x1xf32> to vector<128x128xf32>
      %max3A_107 = vector.broadcast %get3A_85 : vector<1x128xf32> to vector<128x128xf32>
      %max3A_108 = arith.maximumf %max3A_106, %max3A_107 : vector<128x128xf32>
      %sub3A_109 = arith.subf %min3A_105, %max3A_108 : vector<128x128xf32>
      %max3A_110 = arith.constant 0.000000e+00 : f32
      %max3A_111 = vector.broadcast %max3A_110 : f32 to vector<128x128xf32>
      %max3A_112 = arith.maximumf %sub3A_109, %max3A_111 : vector<128x128xf32>
      %mul3A_113 = arith.mulf %max3A_102, %max3A_112 : vector<128x128xf32>
      %sub3A_114 = arith.subf %get3A_88, %get3A_82 : vector<1x128xf32>
      %sub3A_115 = arith.subf %get3A_91, %get3A_85 : vector<1x128xf32>
      %mul3A_116 = arith.mulf %sub3A_114, %sub3A_115 : vector<1x128xf32>
      %add3A_117 = vector.broadcast %mul3A : vector<128x1xf32> to vector<128x128xf32>
      %add3A_118 = vector.broadcast %mul3A_116 : vector<1x128xf32> to vector<128x128xf32>
      %add3A_119 = arith.addf %add3A_117, %add3A_118 : vector<128x128xf32>
      %sub3A_120 = arith.subf %add3A_119, %mul3A_113 : vector<128x128xf32>
      %eq3A_121 = vector.broadcast %reshape3A_22 : vector<128x1xf32> to vector<128x128xf32>
      %eq3A_122 = vector.broadcast %get3A_94 : vector<1x128xf32> to vector<128x128xf32>
      %eq3A_123 = arith.cmpf oeq, %eq3A_121, %eq3A_122 : vector<128x128xf32>
      %jit3A_124 = arith.constant -1.000000e+00 : f32
      %broadcast_in_dim3A_125 = vector.broadcast %jit3A_124 : f32 to vector<128x128xf32>
      %select_n3A_126 = arith.select %eq3A_123, %broadcast_in_dim3A_125, %mul3A_113 : vector<128x128xi1>, vector<128x128xf32>
      %jit3A_127 = arith.constant 1.000000e+00 : f32
      %broadcast_in_dim3A_128 = vector.broadcast %jit3A_127 : f32 to vector<128x128xf32>
      %select_n3A_129 = arith.select %eq3A_123, %broadcast_in_dim3A_128, %sub3A_120 : vector<128x128xi1>, vector<128x128xf32>
      %mul3A_130 = arith.mulf %select_n3A_126, %scan3A_78 : vector<128x128xf32>
      %mul3A_131 = arith.mulf %scan3A_77, %select_n3A_129 : vector<128x128xf32>
      %gt3A_132 = arith.cmpf ogt, %mul3A_130, %mul3A_131 : vector<128x128xf32>
      %select_n3A_133 = arith.select %gt3A_132, %select_n3A_126, %scan3A_77 : vector<128x128xi1>, vector<128x128xf32>
      %select_n3A_134 = arith.select %gt3A_132, %select_n3A_129, %scan3A_78 : vector<128x128xi1>, vector<128x128xf32>
      %convert_element_type3A_135 = arith.sitofp %scan3A_76 : i32 to f32
      %broadcast_in_dim3A_136 = vector.broadcast %convert_element_type3A_135 : f32 to vector<128x128xf32>
      %select_n3A_137 = arith.select %gt3A_132, %broadcast_in_dim3A_136, %scan3A_79 : vector<128x128xi1>, vector<128x128xf32>
      %scan3A_138 = arith.constant 1 : i32
      %scan3A_139 = arith.addi %scan3A_76, %scan3A_138 : i32
      %get3A_140 = arith.index_cast %scan3A_139 : i32 to index
      %get3A_141 = arith.constant 0 : index
      %get3A_142 = vector.load %arg7[%get3A_140, %get3A_141] : memref<40x128xf32, #tpu.memory_space<vmem>>, vector<1x128xf32>
      %get3A_143 = arith.index_cast %scan3A_139 : i32 to index
      %get3A_144 = arith.constant 0 : index
      %get3A_145 = vector.load %arg8[%get3A_143, %get3A_144] : memref<40x128xf32, #tpu.memory_space<vmem>>, vector<1x128xf32>
      %get3A_146 = arith.index_cast %scan3A_139 : i32 to index
      %get3A_147 = arith.constant 0 : index
      %get3A_148 = vector.load %arg9[%get3A_146, %get3A_147] : memref<40x128xf32, #tpu.memory_space<vmem>>, vector<1x128xf32>
      %get3A_149 = arith.index_cast %scan3A_139 : i32 to index
      %get3A_150 = arith.constant 0 : index
      %get3A_151 = vector.load %arg10[%get3A_149, %get3A_150] : memref<40x128xf32, #tpu.memory_space<vmem>>, vector<1x128xf32>
      %get3A_152 = arith.index_cast %scan3A_139 : i32 to index
      %get3A_153 = arith.constant 0 : index
      %get3A_154 = vector.load %arg11[%get3A_152, %get3A_153] : memref<40x128xf32, #tpu.memory_space<vmem>>, vector<1x128xf32>
      %min3A_155 = vector.broadcast %reshape3A_12 : vector<128x1xf32> to vector<128x128xf32>
      %min3A_156 = vector.broadcast %get3A_148 : vector<1x128xf32> to vector<128x128xf32>
      %min3A_157 = arith.minimumf %min3A_155, %min3A_156 : vector<128x128xf32>
      %max3A_158 = vector.broadcast %reshape3A : vector<128x1xf32> to vector<128x128xf32>
      %max3A_159 = vector.broadcast %get3A_142 : vector<1x128xf32> to vector<128x128xf32>
      %max3A_160 = arith.maximumf %max3A_158, %max3A_159 : vector<128x128xf32>
      %sub3A_161 = arith.subf %min3A_157, %max3A_160 : vector<128x128xf32>
      %max3A_162 = arith.constant 0.000000e+00 : f32
      %max3A_163 = vector.broadcast %max3A_162 : f32 to vector<128x128xf32>
      %max3A_164 = arith.maximumf %sub3A_161, %max3A_163 : vector<128x128xf32>
      %min3A_165 = vector.broadcast %reshape3A_17 : vector<128x1xf32> to vector<128x128xf32>
      %min3A_166 = vector.broadcast %get3A_151 : vector<1x128xf32> to vector<128x128xf32>
      %min3A_167 = arith.minimumf %min3A_165, %min3A_166 : vector<128x128xf32>
      %max3A_168 = vector.broadcast %reshape3A_7 : vector<128x1xf32> to vector<128x128xf32>
      %max3A_169 = vector.broadcast %get3A_145 : vector<1x128xf32> to vector<128x128xf32>
      %max3A_170 = arith.maximumf %max3A_168, %max3A_169 : vector<128x128xf32>
      %sub3A_171 = arith.subf %min3A_167, %max3A_170 : vector<128x128xf32>
      %max3A_172 = arith.constant 0.000000e+00 : f32
      %max3A_173 = vector.broadcast %max3A_172 : f32 to vector<128x128xf32>
      %max3A_174 = arith.maximumf %sub3A_171, %max3A_173 : vector<128x128xf32>
      %mul3A_175 = arith.mulf %max3A_164, %max3A_174 : vector<128x128xf32>
      %sub3A_176 = arith.subf %get3A_148, %get3A_142 : vector<1x128xf32>
      %sub3A_177 = arith.subf %get3A_151, %get3A_145 : vector<1x128xf32>
      %mul3A_178 = arith.mulf %sub3A_176, %sub3A_177 : vector<1x128xf32>
      %add3A_179 = vector.broadcast %mul3A : vector<128x1xf32> to vector<128x128xf32>
      %add3A_180 = vector.broadcast %mul3A_178 : vector<1x128xf32> to vector<128x128xf32>
      %add3A_181 = arith.addf %add3A_179, %add3A_180 : vector<128x128xf32>
      %sub3A_182 = arith.subf %add3A_181, %mul3A_175 : vector<128x128xf32>
      %eq3A_183 = vector.broadcast %reshape3A_22 : vector<128x1xf32> to vector<128x128xf32>
      %eq3A_184 = vector.broadcast %get3A_154 : vector<1x128xf32> to vector<128x128xf32>
      %eq3A_185 = arith.cmpf oeq, %eq3A_183, %eq3A_184 : vector<128x128xf32>
      %jit3A_186 = arith.constant -1.000000e+00 : f32
      %broadcast_in_dim3A_187 = vector.broadcast %jit3A_186 : f32 to vector<128x128xf32>
      %select_n3A_188 = arith.select %eq3A_185, %broadcast_in_dim3A_187, %mul3A_175 : vector<128x128xi1>, vector<128x128xf32>
      %jit3A_189 = arith.constant 1.000000e+00 : f32
      %broadcast_in_dim3A_190 = vector.broadcast %jit3A_189 : f32 to vector<128x128xf32>
      %select_n3A_191 = arith.select %eq3A_185, %broadcast_in_dim3A_190, %sub3A_182 : vector<128x128xi1>, vector<128x128xf32>
      %mul3A_192 = arith.mulf %select_n3A_188, %select_n3A_134 : vector<128x128xf32>
      %mul3A_193 = arith.mulf %select_n3A_133, %select_n3A_191 : vector<128x128xf32>
      %gt3A_194 = arith.cmpf ogt, %mul3A_192, %mul3A_193 : vector<128x128xf32>
      %select_n3A_195 = arith.select %gt3A_194, %select_n3A_188, %select_n3A_133 : vector<128x128xi1>, vector<128x128xf32>
      %select_n3A_196 = arith.select %gt3A_194, %select_n3A_191, %select_n3A_134 : vector<128x128xi1>, vector<128x128xf32>
      %convert_element_type3A_197 = arith.sitofp %scan3A_139 : i32 to f32
      %broadcast_in_dim3A_198 = vector.broadcast %convert_element_type3A_197 : f32 to vector<128x128xf32>
      %select_n3A_199 = arith.select %gt3A_194, %broadcast_in_dim3A_198, %select_n3A_137 : vector<128x128xi1>, vector<128x128xf32>
      %scan3A_200 = arith.constant 2 : i32
      %scan3A_201 = arith.addi %scan3A_76, %scan3A_200 : i32
      %get3A_202 = arith.index_cast %scan3A_201 : i32 to index
      %get3A_203 = arith.constant 0 : index
      %get3A_204 = vector.load %arg7[%get3A_202, %get3A_203] : memref<40x128xf32, #tpu.memory_space<vmem>>, vector<1x128xf32>
      %get3A_205 = arith.index_cast %scan3A_201 : i32 to index
      %get3A_206 = arith.constant 0 : index
      %get3A_207 = vector.load %arg8[%get3A_205, %get3A_206] : memref<40x128xf32, #tpu.memory_space<vmem>>, vector<1x128xf32>
      %get3A_208 = arith.index_cast %scan3A_201 : i32 to index
      %get3A_209 = arith.constant 0 : index
      %get3A_210 = vector.load %arg9[%get3A_208, %get3A_209] : memref<40x128xf32, #tpu.memory_space<vmem>>, vector<1x128xf32>
      %get3A_211 = arith.index_cast %scan3A_201 : i32 to index
      %get3A_212 = arith.constant 0 : index
      %get3A_213 = vector.load %arg10[%get3A_211, %get3A_212] : memref<40x128xf32, #tpu.memory_space<vmem>>, vector<1x128xf32>
      %get3A_214 = arith.index_cast %scan3A_201 : i32 to index
      %get3A_215 = arith.constant 0 : index
      %get3A_216 = vector.load %arg11[%get3A_214, %get3A_215] : memref<40x128xf32, #tpu.memory_space<vmem>>, vector<1x128xf32>
      %min3A_217 = vector.broadcast %reshape3A_12 : vector<128x1xf32> to vector<128x128xf32>
      %min3A_218 = vector.broadcast %get3A_210 : vector<1x128xf32> to vector<128x128xf32>
      %min3A_219 = arith.minimumf %min3A_217, %min3A_218 : vector<128x128xf32>
      %max3A_220 = vector.broadcast %reshape3A : vector<128x1xf32> to vector<128x128xf32>
      %max3A_221 = vector.broadcast %get3A_204 : vector<1x128xf32> to vector<128x128xf32>
      %max3A_222 = arith.maximumf %max3A_220, %max3A_221 : vector<128x128xf32>
      %sub3A_223 = arith.subf %min3A_219, %max3A_222 : vector<128x128xf32>
      %max3A_224 = arith.constant 0.000000e+00 : f32
      %max3A_225 = vector.broadcast %max3A_224 : f32 to vector<128x128xf32>
      %max3A_226 = arith.maximumf %sub3A_223, %max3A_225 : vector<128x128xf32>
      %min3A_227 = vector.broadcast %reshape3A_17 : vector<128x1xf32> to vector<128x128xf32>
      %min3A_228 = vector.broadcast %get3A_213 : vector<1x128xf32> to vector<128x128xf32>
      %min3A_229 = arith.minimumf %min3A_227, %min3A_228 : vector<128x128xf32>
      %max3A_230 = vector.broadcast %reshape3A_7 : vector<128x1xf32> to vector<128x128xf32>
      %max3A_231 = vector.broadcast %get3A_207 : vector<1x128xf32> to vector<128x128xf32>
      %max3A_232 = arith.maximumf %max3A_230, %max3A_231 : vector<128x128xf32>
      %sub3A_233 = arith.subf %min3A_229, %max3A_232 : vector<128x128xf32>
      %max3A_234 = arith.constant 0.000000e+00 : f32
      %max3A_235 = vector.broadcast %max3A_234 : f32 to vector<128x128xf32>
      %max3A_236 = arith.maximumf %sub3A_233, %max3A_235 : vector<128x128xf32>
      %mul3A_237 = arith.mulf %max3A_226, %max3A_236 : vector<128x128xf32>
      %sub3A_238 = arith.subf %get3A_210, %get3A_204 : vector<1x128xf32>
      %sub3A_239 = arith.subf %get3A_213, %get3A_207 : vector<1x128xf32>
      %mul3A_240 = arith.mulf %sub3A_238, %sub3A_239 : vector<1x128xf32>
      %add3A_241 = vector.broadcast %mul3A : vector<128x1xf32> to vector<128x128xf32>
      %add3A_242 = vector.broadcast %mul3A_240 : vector<1x128xf32> to vector<128x128xf32>
      %add3A_243 = arith.addf %add3A_241, %add3A_242 : vector<128x128xf32>
      %sub3A_244 = arith.subf %add3A_243, %mul3A_237 : vector<128x128xf32>
      %eq3A_245 = vector.broadcast %reshape3A_22 : vector<128x1xf32> to vector<128x128xf32>
      %eq3A_246 = vector.broadcast %get3A_216 : vector<1x128xf32> to vector<128x128xf32>
      %eq3A_247 = arith.cmpf oeq, %eq3A_245, %eq3A_246 : vector<128x128xf32>
      %jit3A_248 = arith.constant -1.000000e+00 : f32
      %broadcast_in_dim3A_249 = vector.broadcast %jit3A_248 : f32 to vector<128x128xf32>
      %select_n3A_250 = arith.select %eq3A_247, %broadcast_in_dim3A_249, %mul3A_237 : vector<128x128xi1>, vector<128x128xf32>
      %jit3A_251 = arith.constant 1.000000e+00 : f32
      %broadcast_in_dim3A_252 = vector.broadcast %jit3A_251 : f32 to vector<128x128xf32>
      %select_n3A_253 = arith.select %eq3A_247, %broadcast_in_dim3A_252, %sub3A_244 : vector<128x128xi1>, vector<128x128xf32>
      %mul3A_254 = arith.mulf %select_n3A_250, %select_n3A_196 : vector<128x128xf32>
      %mul3A_255 = arith.mulf %select_n3A_195, %select_n3A_253 : vector<128x128xf32>
      %gt3A_256 = arith.cmpf ogt, %mul3A_254, %mul3A_255 : vector<128x128xf32>
      %select_n3A_257 = arith.select %gt3A_256, %select_n3A_250, %select_n3A_195 : vector<128x128xi1>, vector<128x128xf32>
      %select_n3A_258 = arith.select %gt3A_256, %select_n3A_253, %select_n3A_196 : vector<128x128xi1>, vector<128x128xf32>
      %convert_element_type3A_259 = arith.sitofp %scan3A_201 : i32 to f32
      %broadcast_in_dim3A_260 = vector.broadcast %convert_element_type3A_259 : f32 to vector<128x128xf32>
      %select_n3A_261 = arith.select %gt3A_256, %broadcast_in_dim3A_260, %select_n3A_199 : vector<128x128xi1>, vector<128x128xf32>
      %scan3A_262 = arith.constant 3 : i32
      %scan3A_263 = arith.addi %scan3A_76, %scan3A_262 : i32
      %get3A_264 = arith.index_cast %scan3A_263 : i32 to index
      %get3A_265 = arith.constant 0 : index
      %get3A_266 = vector.load %arg7[%get3A_264, %get3A_265] : memref<40x128xf32, #tpu.memory_space<vmem>>, vector<1x128xf32>
      %get3A_267 = arith.index_cast %scan3A_263 : i32 to index
      %get3A_268 = arith.constant 0 : index
      %get3A_269 = vector.load %arg8[%get3A_267, %get3A_268] : memref<40x128xf32, #tpu.memory_space<vmem>>, vector<1x128xf32>
      %get3A_270 = arith.index_cast %scan3A_263 : i32 to index
      %get3A_271 = arith.constant 0 : index
      %get3A_272 = vector.load %arg9[%get3A_270, %get3A_271] : memref<40x128xf32, #tpu.memory_space<vmem>>, vector<1x128xf32>
      %get3A_273 = arith.index_cast %scan3A_263 : i32 to index
      %get3A_274 = arith.constant 0 : index
      %get3A_275 = vector.load %arg10[%get3A_273, %get3A_274] : memref<40x128xf32, #tpu.memory_space<vmem>>, vector<1x128xf32>
      %get3A_276 = arith.index_cast %scan3A_263 : i32 to index
      %get3A_277 = arith.constant 0 : index
      %get3A_278 = vector.load %arg11[%get3A_276, %get3A_277] : memref<40x128xf32, #tpu.memory_space<vmem>>, vector<1x128xf32>
      %min3A_279 = vector.broadcast %reshape3A_12 : vector<128x1xf32> to vector<128x128xf32>
      %min3A_280 = vector.broadcast %get3A_272 : vector<1x128xf32> to vector<128x128xf32>
      %min3A_281 = arith.minimumf %min3A_279, %min3A_280 : vector<128x128xf32>
      %max3A_282 = vector.broadcast %reshape3A : vector<128x1xf32> to vector<128x128xf32>
      %max3A_283 = vector.broadcast %get3A_266 : vector<1x128xf32> to vector<128x128xf32>
      %max3A_284 = arith.maximumf %max3A_282, %max3A_283 : vector<128x128xf32>
      %sub3A_285 = arith.subf %min3A_281, %max3A_284 : vector<128x128xf32>
      %max3A_286 = arith.constant 0.000000e+00 : f32
      %max3A_287 = vector.broadcast %max3A_286 : f32 to vector<128x128xf32>
      %max3A_288 = arith.maximumf %sub3A_285, %max3A_287 : vector<128x128xf32>
      %min3A_289 = vector.broadcast %reshape3A_17 : vector<128x1xf32> to vector<128x128xf32>
      %min3A_290 = vector.broadcast %get3A_275 : vector<1x128xf32> to vector<128x128xf32>
      %min3A_291 = arith.minimumf %min3A_289, %min3A_290 : vector<128x128xf32>
      %max3A_292 = vector.broadcast %reshape3A_7 : vector<128x1xf32> to vector<128x128xf32>
      %max3A_293 = vector.broadcast %get3A_269 : vector<1x128xf32> to vector<128x128xf32>
      %max3A_294 = arith.maximumf %max3A_292, %max3A_293 : vector<128x128xf32>
      %sub3A_295 = arith.subf %min3A_291, %max3A_294 : vector<128x128xf32>
      %max3A_296 = arith.constant 0.000000e+00 : f32
      %max3A_297 = vector.broadcast %max3A_296 : f32 to vector<128x128xf32>
      %max3A_298 = arith.maximumf %sub3A_295, %max3A_297 : vector<128x128xf32>
      %mul3A_299 = arith.mulf %max3A_288, %max3A_298 : vector<128x128xf32>
      %sub3A_300 = arith.subf %get3A_272, %get3A_266 : vector<1x128xf32>
      %sub3A_301 = arith.subf %get3A_275, %get3A_269 : vector<1x128xf32>
      %mul3A_302 = arith.mulf %sub3A_300, %sub3A_301 : vector<1x128xf32>
      %add3A_303 = vector.broadcast %mul3A : vector<128x1xf32> to vector<128x128xf32>
      %add3A_304 = vector.broadcast %mul3A_302 : vector<1x128xf32> to vector<128x128xf32>
      %add3A_305 = arith.addf %add3A_303, %add3A_304 : vector<128x128xf32>
      %sub3A_306 = arith.subf %add3A_305, %mul3A_299 : vector<128x128xf32>
      %eq3A_307 = vector.broadcast %reshape3A_22 : vector<128x1xf32> to vector<128x128xf32>
      %eq3A_308 = vector.broadcast %get3A_278 : vector<1x128xf32> to vector<128x128xf32>
      %eq3A_309 = arith.cmpf oeq, %eq3A_307, %eq3A_308 : vector<128x128xf32>
      %jit3A_310 = arith.constant -1.000000e+00 : f32
      %broadcast_in_dim3A_311 = vector.broadcast %jit3A_310 : f32 to vector<128x128xf32>
      %select_n3A_312 = arith.select %eq3A_309, %broadcast_in_dim3A_311, %mul3A_299 : vector<128x128xi1>, vector<128x128xf32>
      %jit3A_313 = arith.constant 1.000000e+00 : f32
      %broadcast_in_dim3A_314 = vector.broadcast %jit3A_313 : f32 to vector<128x128xf32>
      %select_n3A_315 = arith.select %eq3A_309, %broadcast_in_dim3A_314, %sub3A_306 : vector<128x128xi1>, vector<128x128xf32>
      %mul3A_316 = arith.mulf %select_n3A_312, %select_n3A_258 : vector<128x128xf32>
      %mul3A_317 = arith.mulf %select_n3A_257, %select_n3A_315 : vector<128x128xf32>
      %gt3A_318 = arith.cmpf ogt, %mul3A_316, %mul3A_317 : vector<128x128xf32>
      %select_n3A_319 = arith.select %gt3A_318, %select_n3A_312, %select_n3A_257 : vector<128x128xi1>, vector<128x128xf32>
      %select_n3A_320 = arith.select %gt3A_318, %select_n3A_315, %select_n3A_258 : vector<128x128xi1>, vector<128x128xf32>
      %convert_element_type3A_321 = arith.sitofp %scan3A_263 : i32 to f32
      %broadcast_in_dim3A_322 = vector.broadcast %convert_element_type3A_321 : f32 to vector<128x128xf32>
      %select_n3A_323 = arith.select %gt3A_318, %broadcast_in_dim3A_322, %select_n3A_261 : vector<128x128xi1>, vector<128x128xf32>
      %scan3A_324 = arith.constant 4 : i32
      %scan3A_325 = arith.addi %scan3A_76, %scan3A_324 : i32
      %get3A_326 = arith.index_cast %scan3A_325 : i32 to index
      %get3A_327 = arith.constant 0 : index
      %get3A_328 = vector.load %arg7[%get3A_326, %get3A_327] : memref<40x128xf32, #tpu.memory_space<vmem>>, vector<1x128xf32>
      %get3A_329 = arith.index_cast %scan3A_325 : i32 to index
      %get3A_330 = arith.constant 0 : index
      %get3A_331 = vector.load %arg8[%get3A_329, %get3A_330] : memref<40x128xf32, #tpu.memory_space<vmem>>, vector<1x128xf32>
      %get3A_332 = arith.index_cast %scan3A_325 : i32 to index
      %get3A_333 = arith.constant 0 : index
      %get3A_334 = vector.load %arg9[%get3A_332, %get3A_333] : memref<40x128xf32, #tpu.memory_space<vmem>>, vector<1x128xf32>
      %get3A_335 = arith.index_cast %scan3A_325 : i32 to index
      %get3A_336 = arith.constant 0 : index
      %get3A_337 = vector.load %arg10[%get3A_335, %get3A_336] : memref<40x128xf32, #tpu.memory_space<vmem>>, vector<1x128xf32>
      %get3A_338 = arith.index_cast %scan3A_325 : i32 to index
      %get3A_339 = arith.constant 0 : index
      %get3A_340 = vector.load %arg11[%get3A_338, %get3A_339] : memref<40x128xf32, #tpu.memory_space<vmem>>, vector<1x128xf32>
      %min3A_341 = vector.broadcast %reshape3A_12 : vector<128x1xf32> to vector<128x128xf32>
      %min3A_342 = vector.broadcast %get3A_334 : vector<1x128xf32> to vector<128x128xf32>
      %min3A_343 = arith.minimumf %min3A_341, %min3A_342 : vector<128x128xf32>
      %max3A_344 = vector.broadcast %reshape3A : vector<128x1xf32> to vector<128x128xf32>
      %max3A_345 = vector.broadcast %get3A_328 : vector<1x128xf32> to vector<128x128xf32>
      %max3A_346 = arith.maximumf %max3A_344, %max3A_345 : vector<128x128xf32>
      %sub3A_347 = arith.subf %min3A_343, %max3A_346 : vector<128x128xf32>
      %max3A_348 = arith.constant 0.000000e+00 : f32
      %max3A_349 = vector.broadcast %max3A_348 : f32 to vector<128x128xf32>
      %max3A_350 = arith.maximumf %sub3A_347, %max3A_349 : vector<128x128xf32>
      %min3A_351 = vector.broadcast %reshape3A_17 : vector<128x1xf32> to vector<128x128xf32>
      %min3A_352 = vector.broadcast %get3A_337 : vector<1x128xf32> to vector<128x128xf32>
      %min3A_353 = arith.minimumf %min3A_351, %min3A_352 : vector<128x128xf32>
      %max3A_354 = vector.broadcast %reshape3A_7 : vector<128x1xf32> to vector<128x128xf32>
      %max3A_355 = vector.broadcast %get3A_331 : vector<1x128xf32> to vector<128x128xf32>
      %max3A_356 = arith.maximumf %max3A_354, %max3A_355 : vector<128x128xf32>
      %sub3A_357 = arith.subf %min3A_353, %max3A_356 : vector<128x128xf32>
      %max3A_358 = arith.constant 0.000000e+00 : f32
      %max3A_359 = vector.broadcast %max3A_358 : f32 to vector<128x128xf32>
      %max3A_360 = arith.maximumf %sub3A_357, %max3A_359 : vector<128x128xf32>
      %mul3A_361 = arith.mulf %max3A_350, %max3A_360 : vector<128x128xf32>
      %sub3A_362 = arith.subf %get3A_334, %get3A_328 : vector<1x128xf32>
      %sub3A_363 = arith.subf %get3A_337, %get3A_331 : vector<1x128xf32>
      %mul3A_364 = arith.mulf %sub3A_362, %sub3A_363 : vector<1x128xf32>
      %add3A_365 = vector.broadcast %mul3A : vector<128x1xf32> to vector<128x128xf32>
      %add3A_366 = vector.broadcast %mul3A_364 : vector<1x128xf32> to vector<128x128xf32>
      %add3A_367 = arith.addf %add3A_365, %add3A_366 : vector<128x128xf32>
      %sub3A_368 = arith.subf %add3A_367, %mul3A_361 : vector<128x128xf32>
      %eq3A_369 = vector.broadcast %reshape3A_22 : vector<128x1xf32> to vector<128x128xf32>
      %eq3A_370 = vector.broadcast %get3A_340 : vector<1x128xf32> to vector<128x128xf32>
      %eq3A_371 = arith.cmpf oeq, %eq3A_369, %eq3A_370 : vector<128x128xf32>
      %jit3A_372 = arith.constant -1.000000e+00 : f32
      %broadcast_in_dim3A_373 = vector.broadcast %jit3A_372 : f32 to vector<128x128xf32>
      %select_n3A_374 = arith.select %eq3A_371, %broadcast_in_dim3A_373, %mul3A_361 : vector<128x128xi1>, vector<128x128xf32>
      %jit3A_375 = arith.constant 1.000000e+00 : f32
      %broadcast_in_dim3A_376 = vector.broadcast %jit3A_375 : f32 to vector<128x128xf32>
      %select_n3A_377 = arith.select %eq3A_371, %broadcast_in_dim3A_376, %sub3A_368 : vector<128x128xi1>, vector<128x128xf32>
      %mul3A_378 = arith.mulf %select_n3A_374, %select_n3A_320 : vector<128x128xf32>
      %mul3A_379 = arith.mulf %select_n3A_319, %select_n3A_377 : vector<128x128xf32>
      %gt3A_380 = arith.cmpf ogt, %mul3A_378, %mul3A_379 : vector<128x128xf32>
      %select_n3A_381 = arith.select %gt3A_380, %select_n3A_374, %select_n3A_319 : vector<128x128xi1>, vector<128x128xf32>
      %select_n3A_382 = arith.select %gt3A_380, %select_n3A_377, %select_n3A_320 : vector<128x128xi1>, vector<128x128xf32>
      %convert_element_type3A_383 = arith.sitofp %scan3A_325 : i32 to f32
      %broadcast_in_dim3A_384 = vector.broadcast %convert_element_type3A_383 : f32 to vector<128x128xf32>
      %select_n3A_385 = arith.select %gt3A_380, %broadcast_in_dim3A_384, %select_n3A_323 : vector<128x128xi1>, vector<128x128xf32>
      %scan3A_386 = arith.constant 5 : i32
      %scan3A_387 = arith.addi %scan3A_76, %scan3A_386 : i32
      %get3A_388 = arith.index_cast %scan3A_387 : i32 to index
      %get3A_389 = arith.constant 0 : index
      %get3A_390 = vector.load %arg7[%get3A_388, %get3A_389] : memref<40x128xf32, #tpu.memory_space<vmem>>, vector<1x128xf32>
      %get3A_391 = arith.index_cast %scan3A_387 : i32 to index
      %get3A_392 = arith.constant 0 : index
      %get3A_393 = vector.load %arg8[%get3A_391, %get3A_392] : memref<40x128xf32, #tpu.memory_space<vmem>>, vector<1x128xf32>
      %get3A_394 = arith.index_cast %scan3A_387 : i32 to index
      %get3A_395 = arith.constant 0 : index
      %get3A_396 = vector.load %arg9[%get3A_394, %get3A_395] : memref<40x128xf32, #tpu.memory_space<vmem>>, vector<1x128xf32>
      %get3A_397 = arith.index_cast %scan3A_387 : i32 to index
      %get3A_398 = arith.constant 0 : index
      %get3A_399 = vector.load %arg10[%get3A_397, %get3A_398] : memref<40x128xf32, #tpu.memory_space<vmem>>, vector<1x128xf32>
      %get3A_400 = arith.index_cast %scan3A_387 : i32 to index
      %get3A_401 = arith.constant 0 : index
      %get3A_402 = vector.load %arg11[%get3A_400, %get3A_401] : memref<40x128xf32, #tpu.memory_space<vmem>>, vector<1x128xf32>
      %min3A_403 = vector.broadcast %reshape3A_12 : vector<128x1xf32> to vector<128x128xf32>
      %min3A_404 = vector.broadcast %get3A_396 : vector<1x128xf32> to vector<128x128xf32>
      %min3A_405 = arith.minimumf %min3A_403, %min3A_404 : vector<128x128xf32>
      %max3A_406 = vector.broadcast %reshape3A : vector<128x1xf32> to vector<128x128xf32>
      %max3A_407 = vector.broadcast %get3A_390 : vector<1x128xf32> to vector<128x128xf32>
      %max3A_408 = arith.maximumf %max3A_406, %max3A_407 : vector<128x128xf32>
      %sub3A_409 = arith.subf %min3A_405, %max3A_408 : vector<128x128xf32>
      %max3A_410 = arith.constant 0.000000e+00 : f32
      %max3A_411 = vector.broadcast %max3A_410 : f32 to vector<128x128xf32>
      %max3A_412 = arith.maximumf %sub3A_409, %max3A_411 : vector<128x128xf32>
      %min3A_413 = vector.broadcast %reshape3A_17 : vector<128x1xf32> to vector<128x128xf32>
      %min3A_414 = vector.broadcast %get3A_399 : vector<1x128xf32> to vector<128x128xf32>
      %min3A_415 = arith.minimumf %min3A_413, %min3A_414 : vector<128x128xf32>
      %max3A_416 = vector.broadcast %reshape3A_7 : vector<128x1xf32> to vector<128x128xf32>
      %max3A_417 = vector.broadcast %get3A_393 : vector<1x128xf32> to vector<128x128xf32>
      %max3A_418 = arith.maximumf %max3A_416, %max3A_417 : vector<128x128xf32>
      %sub3A_419 = arith.subf %min3A_415, %max3A_418 : vector<128x128xf32>
      %max3A_420 = arith.constant 0.000000e+00 : f32
      %max3A_421 = vector.broadcast %max3A_420 : f32 to vector<128x128xf32>
      %max3A_422 = arith.maximumf %sub3A_419, %max3A_421 : vector<128x128xf32>
      %mul3A_423 = arith.mulf %max3A_412, %max3A_422 : vector<128x128xf32>
      %sub3A_424 = arith.subf %get3A_396, %get3A_390 : vector<1x128xf32>
      %sub3A_425 = arith.subf %get3A_399, %get3A_393 : vector<1x128xf32>
      %mul3A_426 = arith.mulf %sub3A_424, %sub3A_425 : vector<1x128xf32>
      %add3A_427 = vector.broadcast %mul3A : vector<128x1xf32> to vector<128x128xf32>
      %add3A_428 = vector.broadcast %mul3A_426 : vector<1x128xf32> to vector<128x128xf32>
      %add3A_429 = arith.addf %add3A_427, %add3A_428 : vector<128x128xf32>
      %sub3A_430 = arith.subf %add3A_429, %mul3A_423 : vector<128x128xf32>
      %eq3A_431 = vector.broadcast %reshape3A_22 : vector<128x1xf32> to vector<128x128xf32>
      %eq3A_432 = vector.broadcast %get3A_402 : vector<1x128xf32> to vector<128x128xf32>
      %eq3A_433 = arith.cmpf oeq, %eq3A_431, %eq3A_432 : vector<128x128xf32>
      %jit3A_434 = arith.constant -1.000000e+00 : f32
      %broadcast_in_dim3A_435 = vector.broadcast %jit3A_434 : f32 to vector<128x128xf32>
      %select_n3A_436 = arith.select %eq3A_433, %broadcast_in_dim3A_435, %mul3A_423 : vector<128x128xi1>, vector<128x128xf32>
      %jit3A_437 = arith.constant 1.000000e+00 : f32
      %broadcast_in_dim3A_438 = vector.broadcast %jit3A_437 : f32 to vector<128x128xf32>
      %select_n3A_439 = arith.select %eq3A_433, %broadcast_in_dim3A_438, %sub3A_430 : vector<128x128xi1>, vector<128x128xf32>
      %mul3A_440 = arith.mulf %select_n3A_436, %select_n3A_382 : vector<128x128xf32>
      %mul3A_441 = arith.mulf %select_n3A_381, %select_n3A_439 : vector<128x128xf32>
      %gt3A_442 = arith.cmpf ogt, %mul3A_440, %mul3A_441 : vector<128x128xf32>
      %select_n3A_443 = arith.select %gt3A_442, %select_n3A_436, %select_n3A_381 : vector<128x128xi1>, vector<128x128xf32>
      %select_n3A_444 = arith.select %gt3A_442, %select_n3A_439, %select_n3A_382 : vector<128x128xi1>, vector<128x128xf32>
      %convert_element_type3A_445 = arith.sitofp %scan3A_387 : i32 to f32
      %broadcast_in_dim3A_446 = vector.broadcast %convert_element_type3A_445 : f32 to vector<128x128xf32>
      %select_n3A_447 = arith.select %gt3A_442, %broadcast_in_dim3A_446, %select_n3A_385 : vector<128x128xi1>, vector<128x128xf32>
      %scan3A_448 = arith.constant 6 : i32
      %scan3A_449 = arith.addi %scan3A_76, %scan3A_448 : i32
      %get3A_450 = arith.index_cast %scan3A_449 : i32 to index
      %get3A_451 = arith.constant 0 : index
      %get3A_452 = vector.load %arg7[%get3A_450, %get3A_451] : memref<40x128xf32, #tpu.memory_space<vmem>>, vector<1x128xf32>
      %get3A_453 = arith.index_cast %scan3A_449 : i32 to index
      %get3A_454 = arith.constant 0 : index
      %get3A_455 = vector.load %arg8[%get3A_453, %get3A_454] : memref<40x128xf32, #tpu.memory_space<vmem>>, vector<1x128xf32>
      %get3A_456 = arith.index_cast %scan3A_449 : i32 to index
      %get3A_457 = arith.constant 0 : index
      %get3A_458 = vector.load %arg9[%get3A_456, %get3A_457] : memref<40x128xf32, #tpu.memory_space<vmem>>, vector<1x128xf32>
      %get3A_459 = arith.index_cast %scan3A_449 : i32 to index
      %get3A_460 = arith.constant 0 : index
      %get3A_461 = vector.load %arg10[%get3A_459, %get3A_460] : memref<40x128xf32, #tpu.memory_space<vmem>>, vector<1x128xf32>
      %get3A_462 = arith.index_cast %scan3A_449 : i32 to index
      %get3A_463 = arith.constant 0 : index
      %get3A_464 = vector.load %arg11[%get3A_462, %get3A_463] : memref<40x128xf32, #tpu.memory_space<vmem>>, vector<1x128xf32>
      %min3A_465 = vector.broadcast %reshape3A_12 : vector<128x1xf32> to vector<128x128xf32>
      %min3A_466 = vector.broadcast %get3A_458 : vector<1x128xf32> to vector<128x128xf32>
      %min3A_467 = arith.minimumf %min3A_465, %min3A_466 : vector<128x128xf32>
      %max3A_468 = vector.broadcast %reshape3A : vector<128x1xf32> to vector<128x128xf32>
      %max3A_469 = vector.broadcast %get3A_452 : vector<1x128xf32> to vector<128x128xf32>
      %max3A_470 = arith.maximumf %max3A_468, %max3A_469 : vector<128x128xf32>
      %sub3A_471 = arith.subf %min3A_467, %max3A_470 : vector<128x128xf32>
      %max3A_472 = arith.constant 0.000000e+00 : f32
      %max3A_473 = vector.broadcast %max3A_472 : f32 to vector<128x128xf32>
      %max3A_474 = arith.maximumf %sub3A_471, %max3A_473 : vector<128x128xf32>
      %min3A_475 = vector.broadcast %reshape3A_17 : vector<128x1xf32> to vector<128x128xf32>
      %min3A_476 = vector.broadcast %get3A_461 : vector<1x128xf32> to vector<128x128xf32>
      %min3A_477 = arith.minimumf %min3A_475, %min3A_476 : vector<128x128xf32>
      %max3A_478 = vector.broadcast %reshape3A_7 : vector<128x1xf32> to vector<128x128xf32>
      %max3A_479 = vector.broadcast %get3A_455 : vector<1x128xf32> to vector<128x128xf32>
      %max3A_480 = arith.maximumf %max3A_478, %max3A_479 : vector<128x128xf32>
      %sub3A_481 = arith.subf %min3A_477, %max3A_480 : vector<128x128xf32>
      %max3A_482 = arith.constant 0.000000e+00 : f32
      %max3A_483 = vector.broadcast %max3A_482 : f32 to vector<128x128xf32>
      %max3A_484 = arith.maximumf %sub3A_481, %max3A_483 : vector<128x128xf32>
      %mul3A_485 = arith.mulf %max3A_474, %max3A_484 : vector<128x128xf32>
      %sub3A_486 = arith.subf %get3A_458, %get3A_452 : vector<1x128xf32>
      %sub3A_487 = arith.subf %get3A_461, %get3A_455 : vector<1x128xf32>
      %mul3A_488 = arith.mulf %sub3A_486, %sub3A_487 : vector<1x128xf32>
      %add3A_489 = vector.broadcast %mul3A : vector<128x1xf32> to vector<128x128xf32>
      %add3A_490 = vector.broadcast %mul3A_488 : vector<1x128xf32> to vector<128x128xf32>
      %add3A_491 = arith.addf %add3A_489, %add3A_490 : vector<128x128xf32>
      %sub3A_492 = arith.subf %add3A_491, %mul3A_485 : vector<128x128xf32>
      %eq3A_493 = vector.broadcast %reshape3A_22 : vector<128x1xf32> to vector<128x128xf32>
      %eq3A_494 = vector.broadcast %get3A_464 : vector<1x128xf32> to vector<128x128xf32>
      %eq3A_495 = arith.cmpf oeq, %eq3A_493, %eq3A_494 : vector<128x128xf32>
      %jit3A_496 = arith.constant -1.000000e+00 : f32
      %broadcast_in_dim3A_497 = vector.broadcast %jit3A_496 : f32 to vector<128x128xf32>
      %select_n3A_498 = arith.select %eq3A_495, %broadcast_in_dim3A_497, %mul3A_485 : vector<128x128xi1>, vector<128x128xf32>
      %jit3A_499 = arith.constant 1.000000e+00 : f32
      %broadcast_in_dim3A_500 = vector.broadcast %jit3A_499 : f32 to vector<128x128xf32>
      %select_n3A_501 = arith.select %eq3A_495, %broadcast_in_dim3A_500, %sub3A_492 : vector<128x128xi1>, vector<128x128xf32>
      %mul3A_502 = arith.mulf %select_n3A_498, %select_n3A_444 : vector<128x128xf32>
      %mul3A_503 = arith.mulf %select_n3A_443, %select_n3A_501 : vector<128x128xf32>
      %gt3A_504 = arith.cmpf ogt, %mul3A_502, %mul3A_503 : vector<128x128xf32>
      %select_n3A_505 = arith.select %gt3A_504, %select_n3A_498, %select_n3A_443 : vector<128x128xi1>, vector<128x128xf32>
      %select_n3A_506 = arith.select %gt3A_504, %select_n3A_501, %select_n3A_444 : vector<128x128xi1>, vector<128x128xf32>
      %convert_element_type3A_507 = arith.sitofp %scan3A_449 : i32 to f32
      %broadcast_in_dim3A_508 = vector.broadcast %convert_element_type3A_507 : f32 to vector<128x128xf32>
      %select_n3A_509 = arith.select %gt3A_504, %broadcast_in_dim3A_508, %select_n3A_447 : vector<128x128xi1>, vector<128x128xf32>
      %scan3A_510 = arith.constant 7 : i32
      %scan3A_511 = arith.addi %scan3A_76, %scan3A_510 : i32
      %get3A_512 = arith.index_cast %scan3A_511 : i32 to index
      %get3A_513 = arith.constant 0 : index
      %get3A_514 = vector.load %arg7[%get3A_512, %get3A_513] : memref<40x128xf32, #tpu.memory_space<vmem>>, vector<1x128xf32>
      %get3A_515 = arith.index_cast %scan3A_511 : i32 to index
      %get3A_516 = arith.constant 0 : index
      %get3A_517 = vector.load %arg8[%get3A_515, %get3A_516] : memref<40x128xf32, #tpu.memory_space<vmem>>, vector<1x128xf32>
      %get3A_518 = arith.index_cast %scan3A_511 : i32 to index
      %get3A_519 = arith.constant 0 : index
      %get3A_520 = vector.load %arg9[%get3A_518, %get3A_519] : memref<40x128xf32, #tpu.memory_space<vmem>>, vector<1x128xf32>
      %get3A_521 = arith.index_cast %scan3A_511 : i32 to index
      %get3A_522 = arith.constant 0 : index
      %get3A_523 = vector.load %arg10[%get3A_521, %get3A_522] : memref<40x128xf32, #tpu.memory_space<vmem>>, vector<1x128xf32>
      %get3A_524 = arith.index_cast %scan3A_511 : i32 to index
      %get3A_525 = arith.constant 0 : index
      %get3A_526 = vector.load %arg11[%get3A_524, %get3A_525] : memref<40x128xf32, #tpu.memory_space<vmem>>, vector<1x128xf32>
      %min3A_527 = vector.broadcast %reshape3A_12 : vector<128x1xf32> to vector<128x128xf32>
      %min3A_528 = vector.broadcast %get3A_520 : vector<1x128xf32> to vector<128x128xf32>
      %min3A_529 = arith.minimumf %min3A_527, %min3A_528 : vector<128x128xf32>
      %max3A_530 = vector.broadcast %reshape3A : vector<128x1xf32> to vector<128x128xf32>
      %max3A_531 = vector.broadcast %get3A_514 : vector<1x128xf32> to vector<128x128xf32>
      %max3A_532 = arith.maximumf %max3A_530, %max3A_531 : vector<128x128xf32>
      %sub3A_533 = arith.subf %min3A_529, %max3A_532 : vector<128x128xf32>
      %max3A_534 = arith.constant 0.000000e+00 : f32
      %max3A_535 = vector.broadcast %max3A_534 : f32 to vector<128x128xf32>
      %max3A_536 = arith.maximumf %sub3A_533, %max3A_535 : vector<128x128xf32>
      %min3A_537 = vector.broadcast %reshape3A_17 : vector<128x1xf32> to vector<128x128xf32>
      %min3A_538 = vector.broadcast %get3A_523 : vector<1x128xf32> to vector<128x128xf32>
      %min3A_539 = arith.minimumf %min3A_537, %min3A_538 : vector<128x128xf32>
      %max3A_540 = vector.broadcast %reshape3A_7 : vector<128x1xf32> to vector<128x128xf32>
      %max3A_541 = vector.broadcast %get3A_517 : vector<1x128xf32> to vector<128x128xf32>
      %max3A_542 = arith.maximumf %max3A_540, %max3A_541 : vector<128x128xf32>
      %sub3A_543 = arith.subf %min3A_539, %max3A_542 : vector<128x128xf32>
      %max3A_544 = arith.constant 0.000000e+00 : f32
      %max3A_545 = vector.broadcast %max3A_544 : f32 to vector<128x128xf32>
      %max3A_546 = arith.maximumf %sub3A_543, %max3A_545 : vector<128x128xf32>
      %mul3A_547 = arith.mulf %max3A_536, %max3A_546 : vector<128x128xf32>
      %sub3A_548 = arith.subf %get3A_520, %get3A_514 : vector<1x128xf32>
      %sub3A_549 = arith.subf %get3A_523, %get3A_517 : vector<1x128xf32>
      %mul3A_550 = arith.mulf %sub3A_548, %sub3A_549 : vector<1x128xf32>
      %add3A_551 = vector.broadcast %mul3A : vector<128x1xf32> to vector<128x128xf32>
      %add3A_552 = vector.broadcast %mul3A_550 : vector<1x128xf32> to vector<128x128xf32>
      %add3A_553 = arith.addf %add3A_551, %add3A_552 : vector<128x128xf32>
      %sub3A_554 = arith.subf %add3A_553, %mul3A_547 : vector<128x128xf32>
      %eq3A_555 = vector.broadcast %reshape3A_22 : vector<128x1xf32> to vector<128x128xf32>
      %eq3A_556 = vector.broadcast %get3A_526 : vector<1x128xf32> to vector<128x128xf32>
      %eq3A_557 = arith.cmpf oeq, %eq3A_555, %eq3A_556 : vector<128x128xf32>
      %jit3A_558 = arith.constant -1.000000e+00 : f32
      %broadcast_in_dim3A_559 = vector.broadcast %jit3A_558 : f32 to vector<128x128xf32>
      %select_n3A_560 = arith.select %eq3A_557, %broadcast_in_dim3A_559, %mul3A_547 : vector<128x128xi1>, vector<128x128xf32>
      %jit3A_561 = arith.constant 1.000000e+00 : f32
      %broadcast_in_dim3A_562 = vector.broadcast %jit3A_561 : f32 to vector<128x128xf32>
      %select_n3A_563 = arith.select %eq3A_557, %broadcast_in_dim3A_562, %sub3A_554 : vector<128x128xi1>, vector<128x128xf32>
      %mul3A_564 = arith.mulf %select_n3A_560, %select_n3A_506 : vector<128x128xf32>
      %mul3A_565 = arith.mulf %select_n3A_505, %select_n3A_563 : vector<128x128xf32>
      %gt3A_566 = arith.cmpf ogt, %mul3A_564, %mul3A_565 : vector<128x128xf32>
      %select_n3A_567 = arith.select %gt3A_566, %select_n3A_560, %select_n3A_505 : vector<128x128xi1>, vector<128x128xf32>
      %select_n3A_568 = arith.select %gt3A_566, %select_n3A_563, %select_n3A_506 : vector<128x128xi1>, vector<128x128xf32>
      %convert_element_type3A_569 = arith.sitofp %scan3A_511 : i32 to f32
      %broadcast_in_dim3A_570 = vector.broadcast %convert_element_type3A_569 : f32 to vector<128x128xf32>
      %select_n3A_571 = arith.select %gt3A_566, %broadcast_in_dim3A_570, %select_n3A_509 : vector<128x128xi1>, vector<128x128xf32>
      %scan3A_572 = arith.constant 8 : i32
      %scan3A_573 = arith.addi %scan3A_76, %scan3A_572 : i32
      %get3A_574 = arith.index_cast %scan3A_573 : i32 to index
      %get3A_575 = arith.constant 0 : index
      %get3A_576 = vector.load %arg7[%get3A_574, %get3A_575] : memref<40x128xf32, #tpu.memory_space<vmem>>, vector<1x128xf32>
      %get3A_577 = arith.index_cast %scan3A_573 : i32 to index
      %get3A_578 = arith.constant 0 : index
      %get3A_579 = vector.load %arg8[%get3A_577, %get3A_578] : memref<40x128xf32, #tpu.memory_space<vmem>>, vector<1x128xf32>
      %get3A_580 = arith.index_cast %scan3A_573 : i32 to index
      %get3A_581 = arith.constant 0 : index
      %get3A_582 = vector.load %arg9[%get3A_580, %get3A_581] : memref<40x128xf32, #tpu.memory_space<vmem>>, vector<1x128xf32>
      %get3A_583 = arith.index_cast %scan3A_573 : i32 to index
      %get3A_584 = arith.constant 0 : index
      %get3A_585 = vector.load %arg10[%get3A_583, %get3A_584] : memref<40x128xf32, #tpu.memory_space<vmem>>, vector<1x128xf32>
      %get3A_586 = arith.index_cast %scan3A_573 : i32 to index
      %get3A_587 = arith.constant 0 : index
      %get3A_588 = vector.load %arg11[%get3A_586, %get3A_587] : memref<40x128xf32, #tpu.memory_space<vmem>>, vector<1x128xf32>
      %min3A_589 = vector.broadcast %reshape3A_12 : vector<128x1xf32> to vector<128x128xf32>
      %min3A_590 = vector.broadcast %get3A_582 : vector<1x128xf32> to vector<128x128xf32>
      %min3A_591 = arith.minimumf %min3A_589, %min3A_590 : vector<128x128xf32>
      %max3A_592 = vector.broadcast %reshape3A : vector<128x1xf32> to vector<128x128xf32>
      %max3A_593 = vector.broadcast %get3A_576 : vector<1x128xf32> to vector<128x128xf32>
      %max3A_594 = arith.maximumf %max3A_592, %max3A_593 : vector<128x128xf32>
      %sub3A_595 = arith.subf %min3A_591, %max3A_594 : vector<128x128xf32>
      %max3A_596 = arith.constant 0.000000e+00 : f32
      %max3A_597 = vector.broadcast %max3A_596 : f32 to vector<128x128xf32>
      %max3A_598 = arith.maximumf %sub3A_595, %max3A_597 : vector<128x128xf32>
      %min3A_599 = vector.broadcast %reshape3A_17 : vector<128x1xf32> to vector<128x128xf32>
      %min3A_600 = vector.broadcast %get3A_585 : vector<1x128xf32> to vector<128x128xf32>
      %min3A_601 = arith.minimumf %min3A_599, %min3A_600 : vector<128x128xf32>
      %max3A_602 = vector.broadcast %reshape3A_7 : vector<128x1xf32> to vector<128x128xf32>
      %max3A_603 = vector.broadcast %get3A_579 : vector<1x128xf32> to vector<128x128xf32>
      %max3A_604 = arith.maximumf %max3A_602, %max3A_603 : vector<128x128xf32>
      %sub3A_605 = arith.subf %min3A_601, %max3A_604 : vector<128x128xf32>
      %max3A_606 = arith.constant 0.000000e+00 : f32
      %max3A_607 = vector.broadcast %max3A_606 : f32 to vector<128x128xf32>
      %max3A_608 = arith.maximumf %sub3A_605, %max3A_607 : vector<128x128xf32>
      %mul3A_609 = arith.mulf %max3A_598, %max3A_608 : vector<128x128xf32>
      %sub3A_610 = arith.subf %get3A_582, %get3A_576 : vector<1x128xf32>
      %sub3A_611 = arith.subf %get3A_585, %get3A_579 : vector<1x128xf32>
      %mul3A_612 = arith.mulf %sub3A_610, %sub3A_611 : vector<1x128xf32>
      %add3A_613 = vector.broadcast %mul3A : vector<128x1xf32> to vector<128x128xf32>
      %add3A_614 = vector.broadcast %mul3A_612 : vector<1x128xf32> to vector<128x128xf32>
      %add3A_615 = arith.addf %add3A_613, %add3A_614 : vector<128x128xf32>
      %sub3A_616 = arith.subf %add3A_615, %mul3A_609 : vector<128x128xf32>
      %eq3A_617 = vector.broadcast %reshape3A_22 : vector<128x1xf32> to vector<128x128xf32>
      %eq3A_618 = vector.broadcast %get3A_588 : vector<1x128xf32> to vector<128x128xf32>
      %eq3A_619 = arith.cmpf oeq, %eq3A_617, %eq3A_618 : vector<128x128xf32>
      %jit3A_620 = arith.constant -1.000000e+00 : f32
      %broadcast_in_dim3A_621 = vector.broadcast %jit3A_620 : f32 to vector<128x128xf32>
      %select_n3A_622 = arith.select %eq3A_619, %broadcast_in_dim3A_621, %mul3A_609 : vector<128x128xi1>, vector<128x128xf32>
      %jit3A_623 = arith.constant 1.000000e+00 : f32
      %broadcast_in_dim3A_624 = vector.broadcast %jit3A_623 : f32 to vector<128x128xf32>
      %select_n3A_625 = arith.select %eq3A_619, %broadcast_in_dim3A_624, %sub3A_616 : vector<128x128xi1>, vector<128x128xf32>
      %mul3A_626 = arith.mulf %select_n3A_622, %select_n3A_568 : vector<128x128xf32>
      %mul3A_627 = arith.mulf %select_n3A_567, %select_n3A_625 : vector<128x128xf32>
      %gt3A_628 = arith.cmpf ogt, %mul3A_626, %mul3A_627 : vector<128x128xf32>
      %select_n3A_629 = arith.select %gt3A_628, %select_n3A_622, %select_n3A_567 : vector<128x128xi1>, vector<128x128xf32>
      %select_n3A_630 = arith.select %gt3A_628, %select_n3A_625, %select_n3A_568 : vector<128x128xi1>, vector<128x128xf32>
      %convert_element_type3A_631 = arith.sitofp %scan3A_573 : i32 to f32
      %broadcast_in_dim3A_632 = vector.broadcast %convert_element_type3A_631 : f32 to vector<128x128xf32>
      %select_n3A_633 = arith.select %gt3A_628, %broadcast_in_dim3A_632, %select_n3A_571 : vector<128x128xi1>, vector<128x128xf32>
      %scan3A_634 = arith.constant 9 : i32
      %scan3A_635 = arith.addi %scan3A_76, %scan3A_634 : i32
      %get3A_636 = arith.index_cast %scan3A_635 : i32 to index
      %get3A_637 = arith.constant 0 : index
      %get3A_638 = vector.load %arg7[%get3A_636, %get3A_637] : memref<40x128xf32, #tpu.memory_space<vmem>>, vector<1x128xf32>
      %get3A_639 = arith.index_cast %scan3A_635 : i32 to index
      %get3A_640 = arith.constant 0 : index
      %get3A_641 = vector.load %arg8[%get3A_639, %get3A_640] : memref<40x128xf32, #tpu.memory_space<vmem>>, vector<1x128xf32>
      %get3A_642 = arith.index_cast %scan3A_635 : i32 to index
      %get3A_643 = arith.constant 0 : index
      %get3A_644 = vector.load %arg9[%get3A_642, %get3A_643] : memref<40x128xf32, #tpu.memory_space<vmem>>, vector<1x128xf32>
      %get3A_645 = arith.index_cast %scan3A_635 : i32 to index
      %get3A_646 = arith.constant 0 : index
      %get3A_647 = vector.load %arg10[%get3A_645, %get3A_646] : memref<40x128xf32, #tpu.memory_space<vmem>>, vector<1x128xf32>
      %get3A_648 = arith.index_cast %scan3A_635 : i32 to index
      %get3A_649 = arith.constant 0 : index
      %get3A_650 = vector.load %arg11[%get3A_648, %get3A_649] : memref<40x128xf32, #tpu.memory_space<vmem>>, vector<1x128xf32>
      %min3A_651 = vector.broadcast %reshape3A_12 : vector<128x1xf32> to vector<128x128xf32>
      %min3A_652 = vector.broadcast %get3A_644 : vector<1x128xf32> to vector<128x128xf32>
      %min3A_653 = arith.minimumf %min3A_651, %min3A_652 : vector<128x128xf32>
      %max3A_654 = vector.broadcast %reshape3A : vector<128x1xf32> to vector<128x128xf32>
      %max3A_655 = vector.broadcast %get3A_638 : vector<1x128xf32> to vector<128x128xf32>
      %max3A_656 = arith.maximumf %max3A_654, %max3A_655 : vector<128x128xf32>
      %sub3A_657 = arith.subf %min3A_653, %max3A_656 : vector<128x128xf32>
      %max3A_658 = arith.constant 0.000000e+00 : f32
      %max3A_659 = vector.broadcast %max3A_658 : f32 to vector<128x128xf32>
      %max3A_660 = arith.maximumf %sub3A_657, %max3A_659 : vector<128x128xf32>
      %min3A_661 = vector.broadcast %reshape3A_17 : vector<128x1xf32> to vector<128x128xf32>
      %min3A_662 = vector.broadcast %get3A_647 : vector<1x128xf32> to vector<128x128xf32>
      %min3A_663 = arith.minimumf %min3A_661, %min3A_662 : vector<128x128xf32>
      %max3A_664 = vector.broadcast %reshape3A_7 : vector<128x1xf32> to vector<128x128xf32>
      %max3A_665 = vector.broadcast %get3A_641 : vector<1x128xf32> to vector<128x128xf32>
      %max3A_666 = arith.maximumf %max3A_664, %max3A_665 : vector<128x128xf32>
      %sub3A_667 = arith.subf %min3A_663, %max3A_666 : vector<128x128xf32>
      %max3A_668 = arith.constant 0.000000e+00 : f32
      %max3A_669 = vector.broadcast %max3A_668 : f32 to vector<128x128xf32>
      %max3A_670 = arith.maximumf %sub3A_667, %max3A_669 : vector<128x128xf32>
      %mul3A_671 = arith.mulf %max3A_660, %max3A_670 : vector<128x128xf32>
      %sub3A_672 = arith.subf %get3A_644, %get3A_638 : vector<1x128xf32>
      %sub3A_673 = arith.subf %get3A_647, %get3A_641 : vector<1x128xf32>
      %mul3A_674 = arith.mulf %sub3A_672, %sub3A_673 : vector<1x128xf32>
      %add3A_675 = vector.broadcast %mul3A : vector<128x1xf32> to vector<128x128xf32>
      %add3A_676 = vector.broadcast %mul3A_674 : vector<1x128xf32> to vector<128x128xf32>
      %add3A_677 = arith.addf %add3A_675, %add3A_676 : vector<128x128xf32>
      %sub3A_678 = arith.subf %add3A_677, %mul3A_671 : vector<128x128xf32>
      %eq3A_679 = vector.broadcast %reshape3A_22 : vector<128x1xf32> to vector<128x128xf32>
      %eq3A_680 = vector.broadcast %get3A_650 : vector<1x128xf32> to vector<128x128xf32>
      %eq3A_681 = arith.cmpf oeq, %eq3A_679, %eq3A_680 : vector<128x128xf32>
      %jit3A_682 = arith.constant -1.000000e+00 : f32
      %broadcast_in_dim3A_683 = vector.broadcast %jit3A_682 : f32 to vector<128x128xf32>
      %select_n3A_684 = arith.select %eq3A_681, %broadcast_in_dim3A_683, %mul3A_671 : vector<128x128xi1>, vector<128x128xf32>
      %jit3A_685 = arith.constant 1.000000e+00 : f32
      %broadcast_in_dim3A_686 = vector.broadcast %jit3A_685 : f32 to vector<128x128xf32>
      %select_n3A_687 = arith.select %eq3A_681, %broadcast_in_dim3A_686, %sub3A_678 : vector<128x128xi1>, vector<128x128xf32>
      %mul3A_688 = arith.mulf %select_n3A_684, %select_n3A_630 : vector<128x128xf32>
      %mul3A_689 = arith.mulf %select_n3A_629, %select_n3A_687 : vector<128x128xf32>
      %gt3A_690 = arith.cmpf ogt, %mul3A_688, %mul3A_689 : vector<128x128xf32>
      %select_n3A_691 = arith.select %gt3A_690, %select_n3A_684, %select_n3A_629 : vector<128x128xi1>, vector<128x128xf32>
      %select_n3A_692 = arith.select %gt3A_690, %select_n3A_687, %select_n3A_630 : vector<128x128xi1>, vector<128x128xf32>
      %convert_element_type3A_693 = arith.sitofp %scan3A_635 : i32 to f32
      %broadcast_in_dim3A_694 = vector.broadcast %convert_element_type3A_693 : f32 to vector<128x128xf32>
      %select_n3A_695 = arith.select %gt3A_690, %broadcast_in_dim3A_694, %select_n3A_633 : vector<128x128xi1>, vector<128x128xf32>
      %scan3A_696 = arith.constant 10 : i32
      %scan3A_697 = arith.addi %scan3A_76, %scan3A_696 : i32
      %get3A_698 = arith.index_cast %scan3A_697 : i32 to index
      %get3A_699 = arith.constant 0 : index
      %get3A_700 = vector.load %arg7[%get3A_698, %get3A_699] : memref<40x128xf32, #tpu.memory_space<vmem>>, vector<1x128xf32>
      %get3A_701 = arith.index_cast %scan3A_697 : i32 to index
      %get3A_702 = arith.constant 0 : index
      %get3A_703 = vector.load %arg8[%get3A_701, %get3A_702] : memref<40x128xf32, #tpu.memory_space<vmem>>, vector<1x128xf32>
      %get3A_704 = arith.index_cast %scan3A_697 : i32 to index
      %get3A_705 = arith.constant 0 : index
      %get3A_706 = vector.load %arg9[%get3A_704, %get3A_705] : memref<40x128xf32, #tpu.memory_space<vmem>>, vector<1x128xf32>
      %get3A_707 = arith.index_cast %scan3A_697 : i32 to index
      %get3A_708 = arith.constant 0 : index
      %get3A_709 = vector.load %arg10[%get3A_707, %get3A_708] : memref<40x128xf32, #tpu.memory_space<vmem>>, vector<1x128xf32>
      %get3A_710 = arith.index_cast %scan3A_697 : i32 to index
      %get3A_711 = arith.constant 0 : index
      %get3A_712 = vector.load %arg11[%get3A_710, %get3A_711] : memref<40x128xf32, #tpu.memory_space<vmem>>, vector<1x128xf32>
      %min3A_713 = vector.broadcast %reshape3A_12 : vector<128x1xf32> to vector<128x128xf32>
      %min3A_714 = vector.broadcast %get3A_706 : vector<1x128xf32> to vector<128x128xf32>
      %min3A_715 = arith.minimumf %min3A_713, %min3A_714 : vector<128x128xf32>
      %max3A_716 = vector.broadcast %reshape3A : vector<128x1xf32> to vector<128x128xf32>
      %max3A_717 = vector.broadcast %get3A_700 : vector<1x128xf32> to vector<128x128xf32>
      %max3A_718 = arith.maximumf %max3A_716, %max3A_717 : vector<128x128xf32>
      %sub3A_719 = arith.subf %min3A_715, %max3A_718 : vector<128x128xf32>
      %max3A_720 = arith.constant 0.000000e+00 : f32
      %max3A_721 = vector.broadcast %max3A_720 : f32 to vector<128x128xf32>
      %max3A_722 = arith.maximumf %sub3A_719, %max3A_721 : vector<128x128xf32>
      %min3A_723 = vector.broadcast %reshape3A_17 : vector<128x1xf32> to vector<128x128xf32>
      %min3A_724 = vector.broadcast %get3A_709 : vector<1x128xf32> to vector<128x128xf32>
      %min3A_725 = arith.minimumf %min3A_723, %min3A_724 : vector<128x128xf32>
      %max3A_726 = vector.broadcast %reshape3A_7 : vector<128x1xf32> to vector<128x128xf32>
      %max3A_727 = vector.broadcast %get3A_703 : vector<1x128xf32> to vector<128x128xf32>
      %max3A_728 = arith.maximumf %max3A_726, %max3A_727 : vector<128x128xf32>
      %sub3A_729 = arith.subf %min3A_725, %max3A_728 : vector<128x128xf32>
      %max3A_730 = arith.constant 0.000000e+00 : f32
      %max3A_731 = vector.broadcast %max3A_730 : f32 to vector<128x128xf32>
      %max3A_732 = arith.maximumf %sub3A_729, %max3A_731 : vector<128x128xf32>
      %mul3A_733 = arith.mulf %max3A_722, %max3A_732 : vector<128x128xf32>
      %sub3A_734 = arith.subf %get3A_706, %get3A_700 : vector<1x128xf32>
      %sub3A_735 = arith.subf %get3A_709, %get3A_703 : vector<1x128xf32>
      %mul3A_736 = arith.mulf %sub3A_734, %sub3A_735 : vector<1x128xf32>
      %add3A_737 = vector.broadcast %mul3A : vector<128x1xf32> to vector<128x128xf32>
      %add3A_738 = vector.broadcast %mul3A_736 : vector<1x128xf32> to vector<128x128xf32>
      %add3A_739 = arith.addf %add3A_737, %add3A_738 : vector<128x128xf32>
      %sub3A_740 = arith.subf %add3A_739, %mul3A_733 : vector<128x128xf32>
      %eq3A_741 = vector.broadcast %reshape3A_22 : vector<128x1xf32> to vector<128x128xf32>
      %eq3A_742 = vector.broadcast %get3A_712 : vector<1x128xf32> to vector<128x128xf32>
      %eq3A_743 = arith.cmpf oeq, %eq3A_741, %eq3A_742 : vector<128x128xf32>
      %jit3A_744 = arith.constant -1.000000e+00 : f32
      %broadcast_in_dim3A_745 = vector.broadcast %jit3A_744 : f32 to vector<128x128xf32>
      %select_n3A_746 = arith.select %eq3A_743, %broadcast_in_dim3A_745, %mul3A_733 : vector<128x128xi1>, vector<128x128xf32>
      %jit3A_747 = arith.constant 1.000000e+00 : f32
      %broadcast_in_dim3A_748 = vector.broadcast %jit3A_747 : f32 to vector<128x128xf32>
      %select_n3A_749 = arith.select %eq3A_743, %broadcast_in_dim3A_748, %sub3A_740 : vector<128x128xi1>, vector<128x128xf32>
      %mul3A_750 = arith.mulf %select_n3A_746, %select_n3A_692 : vector<128x128xf32>
      %mul3A_751 = arith.mulf %select_n3A_691, %select_n3A_749 : vector<128x128xf32>
      %gt3A_752 = arith.cmpf ogt, %mul3A_750, %mul3A_751 : vector<128x128xf32>
      %select_n3A_753 = arith.select %gt3A_752, %select_n3A_746, %select_n3A_691 : vector<128x128xi1>, vector<128x128xf32>
      %select_n3A_754 = arith.select %gt3A_752, %select_n3A_749, %select_n3A_692 : vector<128x128xi1>, vector<128x128xf32>
      %convert_element_type3A_755 = arith.sitofp %scan3A_697 : i32 to f32
      %broadcast_in_dim3A_756 = vector.broadcast %convert_element_type3A_755 : f32 to vector<128x128xf32>
      %select_n3A_757 = arith.select %gt3A_752, %broadcast_in_dim3A_756, %select_n3A_695 : vector<128x128xi1>, vector<128x128xf32>
      %scan3A_758 = arith.constant 11 : i32
      %scan3A_759 = arith.addi %scan3A_76, %scan3A_758 : i32
      %get3A_760 = arith.index_cast %scan3A_759 : i32 to index
      %get3A_761 = arith.constant 0 : index
      %get3A_762 = vector.load %arg7[%get3A_760, %get3A_761] : memref<40x128xf32, #tpu.memory_space<vmem>>, vector<1x128xf32>
      %get3A_763 = arith.index_cast %scan3A_759 : i32 to index
      %get3A_764 = arith.constant 0 : index
      %get3A_765 = vector.load %arg8[%get3A_763, %get3A_764] : memref<40x128xf32, #tpu.memory_space<vmem>>, vector<1x128xf32>
      %get3A_766 = arith.index_cast %scan3A_759 : i32 to index
      %get3A_767 = arith.constant 0 : index
      %get3A_768 = vector.load %arg9[%get3A_766, %get3A_767] : memref<40x128xf32, #tpu.memory_space<vmem>>, vector<1x128xf32>
      %get3A_769 = arith.index_cast %scan3A_759 : i32 to index
      %get3A_770 = arith.constant 0 : index
      %get3A_771 = vector.load %arg10[%get3A_769, %get3A_770] : memref<40x128xf32, #tpu.memory_space<vmem>>, vector<1x128xf32>
      %get3A_772 = arith.index_cast %scan3A_759 : i32 to index
      %get3A_773 = arith.constant 0 : index
      %get3A_774 = vector.load %arg11[%get3A_772, %get3A_773] : memref<40x128xf32, #tpu.memory_space<vmem>>, vector<1x128xf32>
      %min3A_775 = vector.broadcast %reshape3A_12 : vector<128x1xf32> to vector<128x128xf32>
      %min3A_776 = vector.broadcast %get3A_768 : vector<1x128xf32> to vector<128x128xf32>
      %min3A_777 = arith.minimumf %min3A_775, %min3A_776 : vector<128x128xf32>
      %max3A_778 = vector.broadcast %reshape3A : vector<128x1xf32> to vector<128x128xf32>
      %max3A_779 = vector.broadcast %get3A_762 : vector<1x128xf32> to vector<128x128xf32>
      %max3A_780 = arith.maximumf %max3A_778, %max3A_779 : vector<128x128xf32>
      %sub3A_781 = arith.subf %min3A_777, %max3A_780 : vector<128x128xf32>
      %max3A_782 = arith.constant 0.000000e+00 : f32
      %max3A_783 = vector.broadcast %max3A_782 : f32 to vector<128x128xf32>
      %max3A_784 = arith.maximumf %sub3A_781, %max3A_783 : vector<128x128xf32>
      %min3A_785 = vector.broadcast %reshape3A_17 : vector<128x1xf32> to vector<128x128xf32>
      %min3A_786 = vector.broadcast %get3A_771 : vector<1x128xf32> to vector<128x128xf32>
      %min3A_787 = arith.minimumf %min3A_785, %min3A_786 : vector<128x128xf32>
      %max3A_788 = vector.broadcast %reshape3A_7 : vector<128x1xf32> to vector<128x128xf32>
      %max3A_789 = vector.broadcast %get3A_765 : vector<1x128xf32> to vector<128x128xf32>
      %max3A_790 = arith.maximumf %max3A_788, %max3A_789 : vector<128x128xf32>
      %sub3A_791 = arith.subf %min3A_787, %max3A_790 : vector<128x128xf32>
      %max3A_792 = arith.constant 0.000000e+00 : f32
      %max3A_793 = vector.broadcast %max3A_792 : f32 to vector<128x128xf32>
      %max3A_794 = arith.maximumf %sub3A_791, %max3A_793 : vector<128x128xf32>
      %mul3A_795 = arith.mulf %max3A_784, %max3A_794 : vector<128x128xf32>
      %sub3A_796 = arith.subf %get3A_768, %get3A_762 : vector<1x128xf32>
      %sub3A_797 = arith.subf %get3A_771, %get3A_765 : vector<1x128xf32>
      %mul3A_798 = arith.mulf %sub3A_796, %sub3A_797 : vector<1x128xf32>
      %add3A_799 = vector.broadcast %mul3A : vector<128x1xf32> to vector<128x128xf32>
      %add3A_800 = vector.broadcast %mul3A_798 : vector<1x128xf32> to vector<128x128xf32>
      %add3A_801 = arith.addf %add3A_799, %add3A_800 : vector<128x128xf32>
      %sub3A_802 = arith.subf %add3A_801, %mul3A_795 : vector<128x128xf32>
      %eq3A_803 = vector.broadcast %reshape3A_22 : vector<128x1xf32> to vector<128x128xf32>
      %eq3A_804 = vector.broadcast %get3A_774 : vector<1x128xf32> to vector<128x128xf32>
      %eq3A_805 = arith.cmpf oeq, %eq3A_803, %eq3A_804 : vector<128x128xf32>
      %jit3A_806 = arith.constant -1.000000e+00 : f32
      %broadcast_in_dim3A_807 = vector.broadcast %jit3A_806 : f32 to vector<128x128xf32>
      %select_n3A_808 = arith.select %eq3A_805, %broadcast_in_dim3A_807, %mul3A_795 : vector<128x128xi1>, vector<128x128xf32>
      %jit3A_809 = arith.constant 1.000000e+00 : f32
      %broadcast_in_dim3A_810 = vector.broadcast %jit3A_809 : f32 to vector<128x128xf32>
      %select_n3A_811 = arith.select %eq3A_805, %broadcast_in_dim3A_810, %sub3A_802 : vector<128x128xi1>, vector<128x128xf32>
      %mul3A_812 = arith.mulf %select_n3A_808, %select_n3A_754 : vector<128x128xf32>
      %mul3A_813 = arith.mulf %select_n3A_753, %select_n3A_811 : vector<128x128xf32>
      %gt3A_814 = arith.cmpf ogt, %mul3A_812, %mul3A_813 : vector<128x128xf32>
      %select_n3A_815 = arith.select %gt3A_814, %select_n3A_808, %select_n3A_753 : vector<128x128xi1>, vector<128x128xf32>
      %select_n3A_816 = arith.select %gt3A_814, %select_n3A_811, %select_n3A_754 : vector<128x128xi1>, vector<128x128xf32>
      %convert_element_type3A_817 = arith.sitofp %scan3A_759 : i32 to f32
      %broadcast_in_dim3A_818 = vector.broadcast %convert_element_type3A_817 : f32 to vector<128x128xf32>
      %select_n3A_819 = arith.select %gt3A_814, %broadcast_in_dim3A_818, %select_n3A_757 : vector<128x128xi1>, vector<128x128xf32>
      %scan3A_820 = arith.constant 12 : i32
      %scan3A_821 = arith.addi %scan3A_76, %scan3A_820 : i32
      %get3A_822 = arith.index_cast %scan3A_821 : i32 to index
      %get3A_823 = arith.constant 0 : index
      %get3A_824 = vector.load %arg7[%get3A_822, %get3A_823] : memref<40x128xf32, #tpu.memory_space<vmem>>, vector<1x128xf32>
      %get3A_825 = arith.index_cast %scan3A_821 : i32 to index
      %get3A_826 = arith.constant 0 : index
      %get3A_827 = vector.load %arg8[%get3A_825, %get3A_826] : memref<40x128xf32, #tpu.memory_space<vmem>>, vector<1x128xf32>
      %get3A_828 = arith.index_cast %scan3A_821 : i32 to index
      %get3A_829 = arith.constant 0 : index
      %get3A_830 = vector.load %arg9[%get3A_828, %get3A_829] : memref<40x128xf32, #tpu.memory_space<vmem>>, vector<1x128xf32>
      %get3A_831 = arith.index_cast %scan3A_821 : i32 to index
      %get3A_832 = arith.constant 0 : index
      %get3A_833 = vector.load %arg10[%get3A_831, %get3A_832] : memref<40x128xf32, #tpu.memory_space<vmem>>, vector<1x128xf32>
      %get3A_834 = arith.index_cast %scan3A_821 : i32 to index
      %get3A_835 = arith.constant 0 : index
      %get3A_836 = vector.load %arg11[%get3A_834, %get3A_835] : memref<40x128xf32, #tpu.memory_space<vmem>>, vector<1x128xf32>
      %min3A_837 = vector.broadcast %reshape3A_12 : vector<128x1xf32> to vector<128x128xf32>
      %min3A_838 = vector.broadcast %get3A_830 : vector<1x128xf32> to vector<128x128xf32>
      %min3A_839 = arith.minimumf %min3A_837, %min3A_838 : vector<128x128xf32>
      %max3A_840 = vector.broadcast %reshape3A : vector<128x1xf32> to vector<128x128xf32>
      %max3A_841 = vector.broadcast %get3A_824 : vector<1x128xf32> to vector<128x128xf32>
      %max3A_842 = arith.maximumf %max3A_840, %max3A_841 : vector<128x128xf32>
      %sub3A_843 = arith.subf %min3A_839, %max3A_842 : vector<128x128xf32>
      %max3A_844 = arith.constant 0.000000e+00 : f32
      %max3A_845 = vector.broadcast %max3A_844 : f32 to vector<128x128xf32>
      %max3A_846 = arith.maximumf %sub3A_843, %max3A_845 : vector<128x128xf32>
      %min3A_847 = vector.broadcast %reshape3A_17 : vector<128x1xf32> to vector<128x128xf32>
      %min3A_848 = vector.broadcast %get3A_833 : vector<1x128xf32> to vector<128x128xf32>
      %min3A_849 = arith.minimumf %min3A_847, %min3A_848 : vector<128x128xf32>
      %max3A_850 = vector.broadcast %reshape3A_7 : vector<128x1xf32> to vector<128x128xf32>
      %max3A_851 = vector.broadcast %get3A_827 : vector<1x128xf32> to vector<128x128xf32>
      %max3A_852 = arith.maximumf %max3A_850, %max3A_851 : vector<128x128xf32>
      %sub3A_853 = arith.subf %min3A_849, %max3A_852 : vector<128x128xf32>
      %max3A_854 = arith.constant 0.000000e+00 : f32
      %max3A_855 = vector.broadcast %max3A_854 : f32 to vector<128x128xf32>
      %max3A_856 = arith.maximumf %sub3A_853, %max3A_855 : vector<128x128xf32>
      %mul3A_857 = arith.mulf %max3A_846, %max3A_856 : vector<128x128xf32>
      %sub3A_858 = arith.subf %get3A_830, %get3A_824 : vector<1x128xf32>
      %sub3A_859 = arith.subf %get3A_833, %get3A_827 : vector<1x128xf32>
      %mul3A_860 = arith.mulf %sub3A_858, %sub3A_859 : vector<1x128xf32>
      %add3A_861 = vector.broadcast %mul3A : vector<128x1xf32> to vector<128x128xf32>
      %add3A_862 = vector.broadcast %mul3A_860 : vector<1x128xf32> to vector<128x128xf32>
      %add3A_863 = arith.addf %add3A_861, %add3A_862 : vector<128x128xf32>
      %sub3A_864 = arith.subf %add3A_863, %mul3A_857 : vector<128x128xf32>
      %eq3A_865 = vector.broadcast %reshape3A_22 : vector<128x1xf32> to vector<128x128xf32>
      %eq3A_866 = vector.broadcast %get3A_836 : vector<1x128xf32> to vector<128x128xf32>
      %eq3A_867 = arith.cmpf oeq, %eq3A_865, %eq3A_866 : vector<128x128xf32>
      %jit3A_868 = arith.constant -1.000000e+00 : f32
      %broadcast_in_dim3A_869 = vector.broadcast %jit3A_868 : f32 to vector<128x128xf32>
      %select_n3A_870 = arith.select %eq3A_867, %broadcast_in_dim3A_869, %mul3A_857 : vector<128x128xi1>, vector<128x128xf32>
      %jit3A_871 = arith.constant 1.000000e+00 : f32
      %broadcast_in_dim3A_872 = vector.broadcast %jit3A_871 : f32 to vector<128x128xf32>
      %select_n3A_873 = arith.select %eq3A_867, %broadcast_in_dim3A_872, %sub3A_864 : vector<128x128xi1>, vector<128x128xf32>
      %mul3A_874 = arith.mulf %select_n3A_870, %select_n3A_816 : vector<128x128xf32>
      %mul3A_875 = arith.mulf %select_n3A_815, %select_n3A_873 : vector<128x128xf32>
      %gt3A_876 = arith.cmpf ogt, %mul3A_874, %mul3A_875 : vector<128x128xf32>
      %select_n3A_877 = arith.select %gt3A_876, %select_n3A_870, %select_n3A_815 : vector<128x128xi1>, vector<128x128xf32>
      %select_n3A_878 = arith.select %gt3A_876, %select_n3A_873, %select_n3A_816 : vector<128x128xi1>, vector<128x128xf32>
      %convert_element_type3A_879 = arith.sitofp %scan3A_821 : i32 to f32
      %broadcast_in_dim3A_880 = vector.broadcast %convert_element_type3A_879 : f32 to vector<128x128xf32>
      %select_n3A_881 = arith.select %gt3A_876, %broadcast_in_dim3A_880, %select_n3A_819 : vector<128x128xi1>, vector<128x128xf32>
      %scan3A_882 = arith.constant 13 : i32
      %scan3A_883 = arith.addi %scan3A_76, %scan3A_882 : i32
      %get3A_884 = arith.index_cast %scan3A_883 : i32 to index
      %get3A_885 = arith.constant 0 : index
      %get3A_886 = vector.load %arg7[%get3A_884, %get3A_885] : memref<40x128xf32, #tpu.memory_space<vmem>>, vector<1x128xf32>
      %get3A_887 = arith.index_cast %scan3A_883 : i32 to index
      %get3A_888 = arith.constant 0 : index
      %get3A_889 = vector.load %arg8[%get3A_887, %get3A_888] : memref<40x128xf32, #tpu.memory_space<vmem>>, vector<1x128xf32>
      %get3A_890 = arith.index_cast %scan3A_883 : i32 to index
      %get3A_891 = arith.constant 0 : index
      %get3A_892 = vector.load %arg9[%get3A_890, %get3A_891] : memref<40x128xf32, #tpu.memory_space<vmem>>, vector<1x128xf32>
      %get3A_893 = arith.index_cast %scan3A_883 : i32 to index
      %get3A_894 = arith.constant 0 : index
      %get3A_895 = vector.load %arg10[%get3A_893, %get3A_894] : memref<40x128xf32, #tpu.memory_space<vmem>>, vector<1x128xf32>
      %get3A_896 = arith.index_cast %scan3A_883 : i32 to index
      %get3A_897 = arith.constant 0 : index
      %get3A_898 = vector.load %arg11[%get3A_896, %get3A_897] : memref<40x128xf32, #tpu.memory_space<vmem>>, vector<1x128xf32>
      %min3A_899 = vector.broadcast %reshape3A_12 : vector<128x1xf32> to vector<128x128xf32>
      %min3A_900 = vector.broadcast %get3A_892 : vector<1x128xf32> to vector<128x128xf32>
      %min3A_901 = arith.minimumf %min3A_899, %min3A_900 : vector<128x128xf32>
      %max3A_902 = vector.broadcast %reshape3A : vector<128x1xf32> to vector<128x128xf32>
      %max3A_903 = vector.broadcast %get3A_886 : vector<1x128xf32> to vector<128x128xf32>
      %max3A_904 = arith.maximumf %max3A_902, %max3A_903 : vector<128x128xf32>
      %sub3A_905 = arith.subf %min3A_901, %max3A_904 : vector<128x128xf32>
      %max3A_906 = arith.constant 0.000000e+00 : f32
      %max3A_907 = vector.broadcast %max3A_906 : f32 to vector<128x128xf32>
      %max3A_908 = arith.maximumf %sub3A_905, %max3A_907 : vector<128x128xf32>
      %min3A_909 = vector.broadcast %reshape3A_17 : vector<128x1xf32> to vector<128x128xf32>
      %min3A_910 = vector.broadcast %get3A_895 : vector<1x128xf32> to vector<128x128xf32>
      %min3A_911 = arith.minimumf %min3A_909, %min3A_910 : vector<128x128xf32>
      %max3A_912 = vector.broadcast %reshape3A_7 : vector<128x1xf32> to vector<128x128xf32>
      %max3A_913 = vector.broadcast %get3A_889 : vector<1x128xf32> to vector<128x128xf32>
      %max3A_914 = arith.maximumf %max3A_912, %max3A_913 : vector<128x128xf32>
      %sub3A_915 = arith.subf %min3A_911, %max3A_914 : vector<128x128xf32>
      %max3A_916 = arith.constant 0.000000e+00 : f32
      %max3A_917 = vector.broadcast %max3A_916 : f32 to vector<128x128xf32>
      %max3A_918 = arith.maximumf %sub3A_915, %max3A_917 : vector<128x128xf32>
      %mul3A_919 = arith.mulf %max3A_908, %max3A_918 : vector<128x128xf32>
      %sub3A_920 = arith.subf %get3A_892, %get3A_886 : vector<1x128xf32>
      %sub3A_921 = arith.subf %get3A_895, %get3A_889 : vector<1x128xf32>
      %mul3A_922 = arith.mulf %sub3A_920, %sub3A_921 : vector<1x128xf32>
      %add3A_923 = vector.broadcast %mul3A : vector<128x1xf32> to vector<128x128xf32>
      %add3A_924 = vector.broadcast %mul3A_922 : vector<1x128xf32> to vector<128x128xf32>
      %add3A_925 = arith.addf %add3A_923, %add3A_924 : vector<128x128xf32>
      %sub3A_926 = arith.subf %add3A_925, %mul3A_919 : vector<128x128xf32>
      %eq3A_927 = vector.broadcast %reshape3A_22 : vector<128x1xf32> to vector<128x128xf32>
      %eq3A_928 = vector.broadcast %get3A_898 : vector<1x128xf32> to vector<128x128xf32>
      %eq3A_929 = arith.cmpf oeq, %eq3A_927, %eq3A_928 : vector<128x128xf32>
      %jit3A_930 = arith.constant -1.000000e+00 : f32
      %broadcast_in_dim3A_931 = vector.broadcast %jit3A_930 : f32 to vector<128x128xf32>
      %select_n3A_932 = arith.select %eq3A_929, %broadcast_in_dim3A_931, %mul3A_919 : vector<128x128xi1>, vector<128x128xf32>
      %jit3A_933 = arith.constant 1.000000e+00 : f32
      %broadcast_in_dim3A_934 = vector.broadcast %jit3A_933 : f32 to vector<128x128xf32>
      %select_n3A_935 = arith.select %eq3A_929, %broadcast_in_dim3A_934, %sub3A_926 : vector<128x128xi1>, vector<128x128xf32>
      %mul3A_936 = arith.mulf %select_n3A_932, %select_n3A_878 : vector<128x128xf32>
      %mul3A_937 = arith.mulf %select_n3A_877, %select_n3A_935 : vector<128x128xf32>
      %gt3A_938 = arith.cmpf ogt, %mul3A_936, %mul3A_937 : vector<128x128xf32>
      %select_n3A_939 = arith.select %gt3A_938, %select_n3A_932, %select_n3A_877 : vector<128x128xi1>, vector<128x128xf32>
      %select_n3A_940 = arith.select %gt3A_938, %select_n3A_935, %select_n3A_878 : vector<128x128xi1>, vector<128x128xf32>
      %convert_element_type3A_941 = arith.sitofp %scan3A_883 : i32 to f32
      %broadcast_in_dim3A_942 = vector.broadcast %convert_element_type3A_941 : f32 to vector<128x128xf32>
      %select_n3A_943 = arith.select %gt3A_938, %broadcast_in_dim3A_942, %select_n3A_881 : vector<128x128xi1>, vector<128x128xf32>
      %scan3A_944 = arith.constant 14 : i32
      %scan3A_945 = arith.addi %scan3A_76, %scan3A_944 : i32
      %get3A_946 = arith.index_cast %scan3A_945 : i32 to index
      %get3A_947 = arith.constant 0 : index
      %get3A_948 = vector.load %arg7[%get3A_946, %get3A_947] : memref<40x128xf32, #tpu.memory_space<vmem>>, vector<1x128xf32>
      %get3A_949 = arith.index_cast %scan3A_945 : i32 to index
      %get3A_950 = arith.constant 0 : index
      %get3A_951 = vector.load %arg8[%get3A_949, %get3A_950] : memref<40x128xf32, #tpu.memory_space<vmem>>, vector<1x128xf32>
      %get3A_952 = arith.index_cast %scan3A_945 : i32 to index
      %get3A_953 = arith.constant 0 : index
      %get3A_954 = vector.load %arg9[%get3A_952, %get3A_953] : memref<40x128xf32, #tpu.memory_space<vmem>>, vector<1x128xf32>
      %get3A_955 = arith.index_cast %scan3A_945 : i32 to index
      %get3A_956 = arith.constant 0 : index
      %get3A_957 = vector.load %arg10[%get3A_955, %get3A_956] : memref<40x128xf32, #tpu.memory_space<vmem>>, vector<1x128xf32>
      %get3A_958 = arith.index_cast %scan3A_945 : i32 to index
      %get3A_959 = arith.constant 0 : index
      %get3A_960 = vector.load %arg11[%get3A_958, %get3A_959] : memref<40x128xf32, #tpu.memory_space<vmem>>, vector<1x128xf32>
      %min3A_961 = vector.broadcast %reshape3A_12 : vector<128x1xf32> to vector<128x128xf32>
      %min3A_962 = vector.broadcast %get3A_954 : vector<1x128xf32> to vector<128x128xf32>
      %min3A_963 = arith.minimumf %min3A_961, %min3A_962 : vector<128x128xf32>
      %max3A_964 = vector.broadcast %reshape3A : vector<128x1xf32> to vector<128x128xf32>
      %max3A_965 = vector.broadcast %get3A_948 : vector<1x128xf32> to vector<128x128xf32>
      %max3A_966 = arith.maximumf %max3A_964, %max3A_965 : vector<128x128xf32>
      %sub3A_967 = arith.subf %min3A_963, %max3A_966 : vector<128x128xf32>
      %max3A_968 = arith.constant 0.000000e+00 : f32
      %max3A_969 = vector.broadcast %max3A_968 : f32 to vector<128x128xf32>
      %max3A_970 = arith.maximumf %sub3A_967, %max3A_969 : vector<128x128xf32>
      %min3A_971 = vector.broadcast %reshape3A_17 : vector<128x1xf32> to vector<128x128xf32>
      %min3A_972 = vector.broadcast %get3A_957 : vector<1x128xf32> to vector<128x128xf32>
      %min3A_973 = arith.minimumf %min3A_971, %min3A_972 : vector<128x128xf32>
      %max3A_974 = vector.broadcast %reshape3A_7 : vector<128x1xf32> to vector<128x128xf32>
      %max3A_975 = vector.broadcast %get3A_951 : vector<1x128xf32> to vector<128x128xf32>
      %max3A_976 = arith.maximumf %max3A_974, %max3A_975 : vector<128x128xf32>
      %sub3A_977 = arith.subf %min3A_973, %max3A_976 : vector<128x128xf32>
      %max3A_978 = arith.constant 0.000000e+00 : f32
      %max3A_979 = vector.broadcast %max3A_978 : f32 to vector<128x128xf32>
      %max3A_980 = arith.maximumf %sub3A_977, %max3A_979 : vector<128x128xf32>
      %mul3A_981 = arith.mulf %max3A_970, %max3A_980 : vector<128x128xf32>
      %sub3A_982 = arith.subf %get3A_954, %get3A_948 : vector<1x128xf32>
      %sub3A_983 = arith.subf %get3A_957, %get3A_951 : vector<1x128xf32>
      %mul3A_984 = arith.mulf %sub3A_982, %sub3A_983 : vector<1x128xf32>
      %add3A_985 = vector.broadcast %mul3A : vector<128x1xf32> to vector<128x128xf32>
      %add3A_986 = vector.broadcast %mul3A_984 : vector<1x128xf32> to vector<128x128xf32>
      %add3A_987 = arith.addf %add3A_985, %add3A_986 : vector<128x128xf32>
      %sub3A_988 = arith.subf %add3A_987, %mul3A_981 : vector<128x128xf32>
      %eq3A_989 = vector.broadcast %reshape3A_22 : vector<128x1xf32> to vector<128x128xf32>
      %eq3A_990 = vector.broadcast %get3A_960 : vector<1x128xf32> to vector<128x128xf32>
      %eq3A_991 = arith.cmpf oeq, %eq3A_989, %eq3A_990 : vector<128x128xf32>
      %jit3A_992 = arith.constant -1.000000e+00 : f32
      %broadcast_in_dim3A_993 = vector.broadcast %jit3A_992 : f32 to vector<128x128xf32>
      %select_n3A_994 = arith.select %eq3A_991, %broadcast_in_dim3A_993, %mul3A_981 : vector<128x128xi1>, vector<128x128xf32>
      %jit3A_995 = arith.constant 1.000000e+00 : f32
      %broadcast_in_dim3A_996 = vector.broadcast %jit3A_995 : f32 to vector<128x128xf32>
      %select_n3A_997 = arith.select %eq3A_991, %broadcast_in_dim3A_996, %sub3A_988 : vector<128x128xi1>, vector<128x128xf32>
      %mul3A_998 = arith.mulf %select_n3A_994, %select_n3A_940 : vector<128x128xf32>
      %mul3A_999 = arith.mulf %select_n3A_939, %select_n3A_997 : vector<128x128xf32>
      %gt3A_1000 = arith.cmpf ogt, %mul3A_998, %mul3A_999 : vector<128x128xf32>
      %select_n3A_1001 = arith.select %gt3A_1000, %select_n3A_994, %select_n3A_939 : vector<128x128xi1>, vector<128x128xf32>
      %select_n3A_1002 = arith.select %gt3A_1000, %select_n3A_997, %select_n3A_940 : vector<128x128xi1>, vector<128x128xf32>
      %convert_element_type3A_1003 = arith.sitofp %scan3A_945 : i32 to f32
      %broadcast_in_dim3A_1004 = vector.broadcast %convert_element_type3A_1003 : f32 to vector<128x128xf32>
      %select_n3A_1005 = arith.select %gt3A_1000, %broadcast_in_dim3A_1004, %select_n3A_943 : vector<128x128xi1>, vector<128x128xf32>
      %scan3A_1006 = arith.constant 15 : i32
      %scan3A_1007 = arith.addi %scan3A_76, %scan3A_1006 : i32
      %get3A_1008 = arith.index_cast %scan3A_1007 : i32 to index
      %get3A_1009 = arith.constant 0 : index
      %get3A_1010 = vector.load %arg7[%get3A_1008, %get3A_1009] : memref<40x128xf32, #tpu.memory_space<vmem>>, vector<1x128xf32>
      %get3A_1011 = arith.index_cast %scan3A_1007 : i32 to index
      %get3A_1012 = arith.constant 0 : index
      %get3A_1013 = vector.load %arg8[%get3A_1011, %get3A_1012] : memref<40x128xf32, #tpu.memory_space<vmem>>, vector<1x128xf32>
      %get3A_1014 = arith.index_cast %scan3A_1007 : i32 to index
      %get3A_1015 = arith.constant 0 : index
      %get3A_1016 = vector.load %arg9[%get3A_1014, %get3A_1015] : memref<40x128xf32, #tpu.memory_space<vmem>>, vector<1x128xf32>
      %get3A_1017 = arith.index_cast %scan3A_1007 : i32 to index
      %get3A_1018 = arith.constant 0 : index
      %get3A_1019 = vector.load %arg10[%get3A_1017, %get3A_1018] : memref<40x128xf32, #tpu.memory_space<vmem>>, vector<1x128xf32>
      %get3A_1020 = arith.index_cast %scan3A_1007 : i32 to index
      %get3A_1021 = arith.constant 0 : index
      %get3A_1022 = vector.load %arg11[%get3A_1020, %get3A_1021] : memref<40x128xf32, #tpu.memory_space<vmem>>, vector<1x128xf32>
      %min3A_1023 = vector.broadcast %reshape3A_12 : vector<128x1xf32> to vector<128x128xf32>
      %min3A_1024 = vector.broadcast %get3A_1016 : vector<1x128xf32> to vector<128x128xf32>
      %min3A_1025 = arith.minimumf %min3A_1023, %min3A_1024 : vector<128x128xf32>
      %max3A_1026 = vector.broadcast %reshape3A : vector<128x1xf32> to vector<128x128xf32>
      %max3A_1027 = vector.broadcast %get3A_1010 : vector<1x128xf32> to vector<128x128xf32>
      %max3A_1028 = arith.maximumf %max3A_1026, %max3A_1027 : vector<128x128xf32>
      %sub3A_1029 = arith.subf %min3A_1025, %max3A_1028 : vector<128x128xf32>
      %max3A_1030 = arith.constant 0.000000e+00 : f32
      %max3A_1031 = vector.broadcast %max3A_1030 : f32 to vector<128x128xf32>
      %max3A_1032 = arith.maximumf %sub3A_1029, %max3A_1031 : vector<128x128xf32>
      %min3A_1033 = vector.broadcast %reshape3A_17 : vector<128x1xf32> to vector<128x128xf32>
      %min3A_1034 = vector.broadcast %get3A_1019 : vector<1x128xf32> to vector<128x128xf32>
      %min3A_1035 = arith.minimumf %min3A_1033, %min3A_1034 : vector<128x128xf32>
      %max3A_1036 = vector.broadcast %reshape3A_7 : vector<128x1xf32> to vector<128x128xf32>
      %max3A_1037 = vector.broadcast %get3A_1013 : vector<1x128xf32> to vector<128x128xf32>
      %max3A_1038 = arith.maximumf %max3A_1036, %max3A_1037 : vector<128x128xf32>
      %sub3A_1039 = arith.subf %min3A_1035, %max3A_1038 : vector<128x128xf32>
      %max3A_1040 = arith.constant 0.000000e+00 : f32
      %max3A_1041 = vector.broadcast %max3A_1040 : f32 to vector<128x128xf32>
      %max3A_1042 = arith.maximumf %sub3A_1039, %max3A_1041 : vector<128x128xf32>
      %mul3A_1043 = arith.mulf %max3A_1032, %max3A_1042 : vector<128x128xf32>
      %sub3A_1044 = arith.subf %get3A_1016, %get3A_1010 : vector<1x128xf32>
      %sub3A_1045 = arith.subf %get3A_1019, %get3A_1013 : vector<1x128xf32>
      %mul3A_1046 = arith.mulf %sub3A_1044, %sub3A_1045 : vector<1x128xf32>
      %add3A_1047 = vector.broadcast %mul3A : vector<128x1xf32> to vector<128x128xf32>
      %add3A_1048 = vector.broadcast %mul3A_1046 : vector<1x128xf32> to vector<128x128xf32>
      %add3A_1049 = arith.addf %add3A_1047, %add3A_1048 : vector<128x128xf32>
      %sub3A_1050 = arith.subf %add3A_1049, %mul3A_1043 : vector<128x128xf32>
      %eq3A_1051 = vector.broadcast %reshape3A_22 : vector<128x1xf32> to vector<128x128xf32>
      %eq3A_1052 = vector.broadcast %get3A_1022 : vector<1x128xf32> to vector<128x128xf32>
      %eq3A_1053 = arith.cmpf oeq, %eq3A_1051, %eq3A_1052 : vector<128x128xf32>
      %jit3A_1054 = arith.constant -1.000000e+00 : f32
      %broadcast_in_dim3A_1055 = vector.broadcast %jit3A_1054 : f32 to vector<128x128xf32>
      %select_n3A_1056 = arith.select %eq3A_1053, %broadcast_in_dim3A_1055, %mul3A_1043 : vector<128x128xi1>, vector<128x128xf32>
      %jit3A_1057 = arith.constant 1.000000e+00 : f32
      %broadcast_in_dim3A_1058 = vector.broadcast %jit3A_1057 : f32 to vector<128x128xf32>
      %select_n3A_1059 = arith.select %eq3A_1053, %broadcast_in_dim3A_1058, %sub3A_1050 : vector<128x128xi1>, vector<128x128xf32>
      %mul3A_1060 = arith.mulf %select_n3A_1056, %select_n3A_1002 : vector<128x128xf32>
      %mul3A_1061 = arith.mulf %select_n3A_1001, %select_n3A_1059 : vector<128x128xf32>
      %gt3A_1062 = arith.cmpf ogt, %mul3A_1060, %mul3A_1061 : vector<128x128xf32>
      %select_n3A_1063 = arith.select %gt3A_1062, %select_n3A_1056, %select_n3A_1001 : vector<128x128xi1>, vector<128x128xf32>
      %select_n3A_1064 = arith.select %gt3A_1062, %select_n3A_1059, %select_n3A_1002 : vector<128x128xi1>, vector<128x128xf32>
      %convert_element_type3A_1065 = arith.sitofp %scan3A_1007 : i32 to f32
      %broadcast_in_dim3A_1066 = vector.broadcast %convert_element_type3A_1065 : f32 to vector<128x128xf32>
      %select_n3A_1067 = arith.select %gt3A_1062, %broadcast_in_dim3A_1066, %select_n3A_1005 : vector<128x128xi1>, vector<128x128xf32>
      %scan3A_1068 = arith.constant 16 : i32
      %scan3A_1069 = arith.addi %scan3A_76, %scan3A_1068 : i32
      %get3A_1070 = arith.index_cast %scan3A_1069 : i32 to index
      %get3A_1071 = arith.constant 0 : index
      %get3A_1072 = vector.load %arg7[%get3A_1070, %get3A_1071] : memref<40x128xf32, #tpu.memory_space<vmem>>, vector<1x128xf32>
      %get3A_1073 = arith.index_cast %scan3A_1069 : i32 to index
      %get3A_1074 = arith.constant 0 : index
      %get3A_1075 = vector.load %arg8[%get3A_1073, %get3A_1074] : memref<40x128xf32, #tpu.memory_space<vmem>>, vector<1x128xf32>
      %get3A_1076 = arith.index_cast %scan3A_1069 : i32 to index
      %get3A_1077 = arith.constant 0 : index
      %get3A_1078 = vector.load %arg9[%get3A_1076, %get3A_1077] : memref<40x128xf32, #tpu.memory_space<vmem>>, vector<1x128xf32>
      %get3A_1079 = arith.index_cast %scan3A_1069 : i32 to index
      %get3A_1080 = arith.constant 0 : index
      %get3A_1081 = vector.load %arg10[%get3A_1079, %get3A_1080] : memref<40x128xf32, #tpu.memory_space<vmem>>, vector<1x128xf32>
      %get3A_1082 = arith.index_cast %scan3A_1069 : i32 to index
      %get3A_1083 = arith.constant 0 : index
      %get3A_1084 = vector.load %arg11[%get3A_1082, %get3A_1083] : memref<40x128xf32, #tpu.memory_space<vmem>>, vector<1x128xf32>
      %min3A_1085 = vector.broadcast %reshape3A_12 : vector<128x1xf32> to vector<128x128xf32>
      %min3A_1086 = vector.broadcast %get3A_1078 : vector<1x128xf32> to vector<128x128xf32>
      %min3A_1087 = arith.minimumf %min3A_1085, %min3A_1086 : vector<128x128xf32>
      %max3A_1088 = vector.broadcast %reshape3A : vector<128x1xf32> to vector<128x128xf32>
      %max3A_1089 = vector.broadcast %get3A_1072 : vector<1x128xf32> to vector<128x128xf32>
      %max3A_1090 = arith.maximumf %max3A_1088, %max3A_1089 : vector<128x128xf32>
      %sub3A_1091 = arith.subf %min3A_1087, %max3A_1090 : vector<128x128xf32>
      %max3A_1092 = arith.constant 0.000000e+00 : f32
      %max3A_1093 = vector.broadcast %max3A_1092 : f32 to vector<128x128xf32>
      %max3A_1094 = arith.maximumf %sub3A_1091, %max3A_1093 : vector<128x128xf32>
      %min3A_1095 = vector.broadcast %reshape3A_17 : vector<128x1xf32> to vector<128x128xf32>
      %min3A_1096 = vector.broadcast %get3A_1081 : vector<1x128xf32> to vector<128x128xf32>
      %min3A_1097 = arith.minimumf %min3A_1095, %min3A_1096 : vector<128x128xf32>
      %max3A_1098 = vector.broadcast %reshape3A_7 : vector<128x1xf32> to vector<128x128xf32>
      %max3A_1099 = vector.broadcast %get3A_1075 : vector<1x128xf32> to vector<128x128xf32>
      %max3A_1100 = arith.maximumf %max3A_1098, %max3A_1099 : vector<128x128xf32>
      %sub3A_1101 = arith.subf %min3A_1097, %max3A_1100 : vector<128x128xf32>
      %max3A_1102 = arith.constant 0.000000e+00 : f32
      %max3A_1103 = vector.broadcast %max3A_1102 : f32 to vector<128x128xf32>
      %max3A_1104 = arith.maximumf %sub3A_1101, %max3A_1103 : vector<128x128xf32>
      %mul3A_1105 = arith.mulf %max3A_1094, %max3A_1104 : vector<128x128xf32>
      %sub3A_1106 = arith.subf %get3A_1078, %get3A_1072 : vector<1x128xf32>
      %sub3A_1107 = arith.subf %get3A_1081, %get3A_1075 : vector<1x128xf32>
      %mul3A_1108 = arith.mulf %sub3A_1106, %sub3A_1107 : vector<1x128xf32>
      %add3A_1109 = vector.broadcast %mul3A : vector<128x1xf32> to vector<128x128xf32>
      %add3A_1110 = vector.broadcast %mul3A_1108 : vector<1x128xf32> to vector<128x128xf32>
      %add3A_1111 = arith.addf %add3A_1109, %add3A_1110 : vector<128x128xf32>
      %sub3A_1112 = arith.subf %add3A_1111, %mul3A_1105 : vector<128x128xf32>
      %eq3A_1113 = vector.broadcast %reshape3A_22 : vector<128x1xf32> to vector<128x128xf32>
      %eq3A_1114 = vector.broadcast %get3A_1084 : vector<1x128xf32> to vector<128x128xf32>
      %eq3A_1115 = arith.cmpf oeq, %eq3A_1113, %eq3A_1114 : vector<128x128xf32>
      %jit3A_1116 = arith.constant -1.000000e+00 : f32
      %broadcast_in_dim3A_1117 = vector.broadcast %jit3A_1116 : f32 to vector<128x128xf32>
      %select_n3A_1118 = arith.select %eq3A_1115, %broadcast_in_dim3A_1117, %mul3A_1105 : vector<128x128xi1>, vector<128x128xf32>
      %jit3A_1119 = arith.constant 1.000000e+00 : f32
      %broadcast_in_dim3A_1120 = vector.broadcast %jit3A_1119 : f32 to vector<128x128xf32>
      %select_n3A_1121 = arith.select %eq3A_1115, %broadcast_in_dim3A_1120, %sub3A_1112 : vector<128x128xi1>, vector<128x128xf32>
      %mul3A_1122 = arith.mulf %select_n3A_1118, %select_n3A_1064 : vector<128x128xf32>
      %mul3A_1123 = arith.mulf %select_n3A_1063, %select_n3A_1121 : vector<128x128xf32>
      %gt3A_1124 = arith.cmpf ogt, %mul3A_1122, %mul3A_1123 : vector<128x128xf32>
      %select_n3A_1125 = arith.select %gt3A_1124, %select_n3A_1118, %select_n3A_1063 : vector<128x128xi1>, vector<128x128xf32>
      %select_n3A_1126 = arith.select %gt3A_1124, %select_n3A_1121, %select_n3A_1064 : vector<128x128xi1>, vector<128x128xf32>
      %convert_element_type3A_1127 = arith.sitofp %scan3A_1069 : i32 to f32
      %broadcast_in_dim3A_1128 = vector.broadcast %convert_element_type3A_1127 : f32 to vector<128x128xf32>
      %select_n3A_1129 = arith.select %gt3A_1124, %broadcast_in_dim3A_1128, %select_n3A_1067 : vector<128x128xi1>, vector<128x128xf32>
      %scan3A_1130 = arith.constant 17 : i32
      %scan3A_1131 = arith.addi %scan3A_76, %scan3A_1130 : i32
      %get3A_1132 = arith.index_cast %scan3A_1131 : i32 to index
      %get3A_1133 = arith.constant 0 : index
      %get3A_1134 = vector.load %arg7[%get3A_1132, %get3A_1133] : memref<40x128xf32, #tpu.memory_space<vmem>>, vector<1x128xf32>
      %get3A_1135 = arith.index_cast %scan3A_1131 : i32 to index
      %get3A_1136 = arith.constant 0 : index
      %get3A_1137 = vector.load %arg8[%get3A_1135, %get3A_1136] : memref<40x128xf32, #tpu.memory_space<vmem>>, vector<1x128xf32>
      %get3A_1138 = arith.index_cast %scan3A_1131 : i32 to index
      %get3A_1139 = arith.constant 0 : index
      %get3A_1140 = vector.load %arg9[%get3A_1138, %get3A_1139] : memref<40x128xf32, #tpu.memory_space<vmem>>, vector<1x128xf32>
      %get3A_1141 = arith.index_cast %scan3A_1131 : i32 to index
      %get3A_1142 = arith.constant 0 : index
      %get3A_1143 = vector.load %arg10[%get3A_1141, %get3A_1142] : memref<40x128xf32, #tpu.memory_space<vmem>>, vector<1x128xf32>
      %get3A_1144 = arith.index_cast %scan3A_1131 : i32 to index
      %get3A_1145 = arith.constant 0 : index
      %get3A_1146 = vector.load %arg11[%get3A_1144, %get3A_1145] : memref<40x128xf32, #tpu.memory_space<vmem>>, vector<1x128xf32>
      %min3A_1147 = vector.broadcast %reshape3A_12 : vector<128x1xf32> to vector<128x128xf32>
      %min3A_1148 = vector.broadcast %get3A_1140 : vector<1x128xf32> to vector<128x128xf32>
      %min3A_1149 = arith.minimumf %min3A_1147, %min3A_1148 : vector<128x128xf32>
      %max3A_1150 = vector.broadcast %reshape3A : vector<128x1xf32> to vector<128x128xf32>
      %max3A_1151 = vector.broadcast %get3A_1134 : vector<1x128xf32> to vector<128x128xf32>
      %max3A_1152 = arith.maximumf %max3A_1150, %max3A_1151 : vector<128x128xf32>
      %sub3A_1153 = arith.subf %min3A_1149, %max3A_1152 : vector<128x128xf32>
      %max3A_1154 = arith.constant 0.000000e+00 : f32
      %max3A_1155 = vector.broadcast %max3A_1154 : f32 to vector<128x128xf32>
      %max3A_1156 = arith.maximumf %sub3A_1153, %max3A_1155 : vector<128x128xf32>
      %min3A_1157 = vector.broadcast %reshape3A_17 : vector<128x1xf32> to vector<128x128xf32>
      %min3A_1158 = vector.broadcast %get3A_1143 : vector<1x128xf32> to vector<128x128xf32>
      %min3A_1159 = arith.minimumf %min3A_1157, %min3A_1158 : vector<128x128xf32>
      %max3A_1160 = vector.broadcast %reshape3A_7 : vector<128x1xf32> to vector<128x128xf32>
      %max3A_1161 = vector.broadcast %get3A_1137 : vector<1x128xf32> to vector<128x128xf32>
      %max3A_1162 = arith.maximumf %max3A_1160, %max3A_1161 : vector<128x128xf32>
      %sub3A_1163 = arith.subf %min3A_1159, %max3A_1162 : vector<128x128xf32>
      %max3A_1164 = arith.constant 0.000000e+00 : f32
      %max3A_1165 = vector.broadcast %max3A_1164 : f32 to vector<128x128xf32>
      %max3A_1166 = arith.maximumf %sub3A_1163, %max3A_1165 : vector<128x128xf32>
      %mul3A_1167 = arith.mulf %max3A_1156, %max3A_1166 : vector<128x128xf32>
      %sub3A_1168 = arith.subf %get3A_1140, %get3A_1134 : vector<1x128xf32>
      %sub3A_1169 = arith.subf %get3A_1143, %get3A_1137 : vector<1x128xf32>
      %mul3A_1170 = arith.mulf %sub3A_1168, %sub3A_1169 : vector<1x128xf32>
      %add3A_1171 = vector.broadcast %mul3A : vector<128x1xf32> to vector<128x128xf32>
      %add3A_1172 = vector.broadcast %mul3A_1170 : vector<1x128xf32> to vector<128x128xf32>
      %add3A_1173 = arith.addf %add3A_1171, %add3A_1172 : vector<128x128xf32>
      %sub3A_1174 = arith.subf %add3A_1173, %mul3A_1167 : vector<128x128xf32>
      %eq3A_1175 = vector.broadcast %reshape3A_22 : vector<128x1xf32> to vector<128x128xf32>
      %eq3A_1176 = vector.broadcast %get3A_1146 : vector<1x128xf32> to vector<128x128xf32>
      %eq3A_1177 = arith.cmpf oeq, %eq3A_1175, %eq3A_1176 : vector<128x128xf32>
      %jit3A_1178 = arith.constant -1.000000e+00 : f32
      %broadcast_in_dim3A_1179 = vector.broadcast %jit3A_1178 : f32 to vector<128x128xf32>
      %select_n3A_1180 = arith.select %eq3A_1177, %broadcast_in_dim3A_1179, %mul3A_1167 : vector<128x128xi1>, vector<128x128xf32>
      %jit3A_1181 = arith.constant 1.000000e+00 : f32
      %broadcast_in_dim3A_1182 = vector.broadcast %jit3A_1181 : f32 to vector<128x128xf32>
      %select_n3A_1183 = arith.select %eq3A_1177, %broadcast_in_dim3A_1182, %sub3A_1174 : vector<128x128xi1>, vector<128x128xf32>
      %mul3A_1184 = arith.mulf %select_n3A_1180, %select_n3A_1126 : vector<128x128xf32>
      %mul3A_1185 = arith.mulf %select_n3A_1125, %select_n3A_1183 : vector<128x128xf32>
      %gt3A_1186 = arith.cmpf ogt, %mul3A_1184, %mul3A_1185 : vector<128x128xf32>
      %select_n3A_1187 = arith.select %gt3A_1186, %select_n3A_1180, %select_n3A_1125 : vector<128x128xi1>, vector<128x128xf32>
      %select_n3A_1188 = arith.select %gt3A_1186, %select_n3A_1183, %select_n3A_1126 : vector<128x128xi1>, vector<128x128xf32>
      %convert_element_type3A_1189 = arith.sitofp %scan3A_1131 : i32 to f32
      %broadcast_in_dim3A_1190 = vector.broadcast %convert_element_type3A_1189 : f32 to vector<128x128xf32>
      %select_n3A_1191 = arith.select %gt3A_1186, %broadcast_in_dim3A_1190, %select_n3A_1129 : vector<128x128xi1>, vector<128x128xf32>
      %scan3A_1192 = arith.constant 18 : i32
      %scan3A_1193 = arith.addi %scan3A_76, %scan3A_1192 : i32
      %get3A_1194 = arith.index_cast %scan3A_1193 : i32 to index
      %get3A_1195 = arith.constant 0 : index
      %get3A_1196 = vector.load %arg7[%get3A_1194, %get3A_1195] : memref<40x128xf32, #tpu.memory_space<vmem>>, vector<1x128xf32>
      %get3A_1197 = arith.index_cast %scan3A_1193 : i32 to index
      %get3A_1198 = arith.constant 0 : index
      %get3A_1199 = vector.load %arg8[%get3A_1197, %get3A_1198] : memref<40x128xf32, #tpu.memory_space<vmem>>, vector<1x128xf32>
      %get3A_1200 = arith.index_cast %scan3A_1193 : i32 to index
      %get3A_1201 = arith.constant 0 : index
      %get3A_1202 = vector.load %arg9[%get3A_1200, %get3A_1201] : memref<40x128xf32, #tpu.memory_space<vmem>>, vector<1x128xf32>
      %get3A_1203 = arith.index_cast %scan3A_1193 : i32 to index
      %get3A_1204 = arith.constant 0 : index
      %get3A_1205 = vector.load %arg10[%get3A_1203, %get3A_1204] : memref<40x128xf32, #tpu.memory_space<vmem>>, vector<1x128xf32>
      %get3A_1206 = arith.index_cast %scan3A_1193 : i32 to index
      %get3A_1207 = arith.constant 0 : index
      %get3A_1208 = vector.load %arg11[%get3A_1206, %get3A_1207] : memref<40x128xf32, #tpu.memory_space<vmem>>, vector<1x128xf32>
      %min3A_1209 = vector.broadcast %reshape3A_12 : vector<128x1xf32> to vector<128x128xf32>
      %min3A_1210 = vector.broadcast %get3A_1202 : vector<1x128xf32> to vector<128x128xf32>
      %min3A_1211 = arith.minimumf %min3A_1209, %min3A_1210 : vector<128x128xf32>
      %max3A_1212 = vector.broadcast %reshape3A : vector<128x1xf32> to vector<128x128xf32>
      %max3A_1213 = vector.broadcast %get3A_1196 : vector<1x128xf32> to vector<128x128xf32>
      %max3A_1214 = arith.maximumf %max3A_1212, %max3A_1213 : vector<128x128xf32>
      %sub3A_1215 = arith.subf %min3A_1211, %max3A_1214 : vector<128x128xf32>
      %max3A_1216 = arith.constant 0.000000e+00 : f32
      %max3A_1217 = vector.broadcast %max3A_1216 : f32 to vector<128x128xf32>
      %max3A_1218 = arith.maximumf %sub3A_1215, %max3A_1217 : vector<128x128xf32>
      %min3A_1219 = vector.broadcast %reshape3A_17 : vector<128x1xf32> to vector<128x128xf32>
      %min3A_1220 = vector.broadcast %get3A_1205 : vector<1x128xf32> to vector<128x128xf32>
      %min3A_1221 = arith.minimumf %min3A_1219, %min3A_1220 : vector<128x128xf32>
      %max3A_1222 = vector.broadcast %reshape3A_7 : vector<128x1xf32> to vector<128x128xf32>
      %max3A_1223 = vector.broadcast %get3A_1199 : vector<1x128xf32> to vector<128x128xf32>
      %max3A_1224 = arith.maximumf %max3A_1222, %max3A_1223 : vector<128x128xf32>
      %sub3A_1225 = arith.subf %min3A_1221, %max3A_1224 : vector<128x128xf32>
      %max3A_1226 = arith.constant 0.000000e+00 : f32
      %max3A_1227 = vector.broadcast %max3A_1226 : f32 to vector<128x128xf32>
      %max3A_1228 = arith.maximumf %sub3A_1225, %max3A_1227 : vector<128x128xf32>
      %mul3A_1229 = arith.mulf %max3A_1218, %max3A_1228 : vector<128x128xf32>
      %sub3A_1230 = arith.subf %get3A_1202, %get3A_1196 : vector<1x128xf32>
      %sub3A_1231 = arith.subf %get3A_1205, %get3A_1199 : vector<1x128xf32>
      %mul3A_1232 = arith.mulf %sub3A_1230, %sub3A_1231 : vector<1x128xf32>
      %add3A_1233 = vector.broadcast %mul3A : vector<128x1xf32> to vector<128x128xf32>
      %add3A_1234 = vector.broadcast %mul3A_1232 : vector<1x128xf32> to vector<128x128xf32>
      %add3A_1235 = arith.addf %add3A_1233, %add3A_1234 : vector<128x128xf32>
      %sub3A_1236 = arith.subf %add3A_1235, %mul3A_1229 : vector<128x128xf32>
      %eq3A_1237 = vector.broadcast %reshape3A_22 : vector<128x1xf32> to vector<128x128xf32>
      %eq3A_1238 = vector.broadcast %get3A_1208 : vector<1x128xf32> to vector<128x128xf32>
      %eq3A_1239 = arith.cmpf oeq, %eq3A_1237, %eq3A_1238 : vector<128x128xf32>
      %jit3A_1240 = arith.constant -1.000000e+00 : f32
      %broadcast_in_dim3A_1241 = vector.broadcast %jit3A_1240 : f32 to vector<128x128xf32>
      %select_n3A_1242 = arith.select %eq3A_1239, %broadcast_in_dim3A_1241, %mul3A_1229 : vector<128x128xi1>, vector<128x128xf32>
      %jit3A_1243 = arith.constant 1.000000e+00 : f32
      %broadcast_in_dim3A_1244 = vector.broadcast %jit3A_1243 : f32 to vector<128x128xf32>
      %select_n3A_1245 = arith.select %eq3A_1239, %broadcast_in_dim3A_1244, %sub3A_1236 : vector<128x128xi1>, vector<128x128xf32>
      %mul3A_1246 = arith.mulf %select_n3A_1242, %select_n3A_1188 : vector<128x128xf32>
      %mul3A_1247 = arith.mulf %select_n3A_1187, %select_n3A_1245 : vector<128x128xf32>
      %gt3A_1248 = arith.cmpf ogt, %mul3A_1246, %mul3A_1247 : vector<128x128xf32>
      %select_n3A_1249 = arith.select %gt3A_1248, %select_n3A_1242, %select_n3A_1187 : vector<128x128xi1>, vector<128x128xf32>
      %select_n3A_1250 = arith.select %gt3A_1248, %select_n3A_1245, %select_n3A_1188 : vector<128x128xi1>, vector<128x128xf32>
      %convert_element_type3A_1251 = arith.sitofp %scan3A_1193 : i32 to f32
      %broadcast_in_dim3A_1252 = vector.broadcast %convert_element_type3A_1251 : f32 to vector<128x128xf32>
      %select_n3A_1253 = arith.select %gt3A_1248, %broadcast_in_dim3A_1252, %select_n3A_1191 : vector<128x128xi1>, vector<128x128xf32>
      %scan3A_1254 = arith.constant 19 : i32
      %scan3A_1255 = arith.addi %scan3A_76, %scan3A_1254 : i32
      %get3A_1256 = arith.index_cast %scan3A_1255 : i32 to index
      %get3A_1257 = arith.constant 0 : index
      %get3A_1258 = vector.load %arg7[%get3A_1256, %get3A_1257] : memref<40x128xf32, #tpu.memory_space<vmem>>, vector<1x128xf32>
      %get3A_1259 = arith.index_cast %scan3A_1255 : i32 to index
      %get3A_1260 = arith.constant 0 : index
      %get3A_1261 = vector.load %arg8[%get3A_1259, %get3A_1260] : memref<40x128xf32, #tpu.memory_space<vmem>>, vector<1x128xf32>
      %get3A_1262 = arith.index_cast %scan3A_1255 : i32 to index
      %get3A_1263 = arith.constant 0 : index
      %get3A_1264 = vector.load %arg9[%get3A_1262, %get3A_1263] : memref<40x128xf32, #tpu.memory_space<vmem>>, vector<1x128xf32>
      %get3A_1265 = arith.index_cast %scan3A_1255 : i32 to index
      %get3A_1266 = arith.constant 0 : index
      %get3A_1267 = vector.load %arg10[%get3A_1265, %get3A_1266] : memref<40x128xf32, #tpu.memory_space<vmem>>, vector<1x128xf32>
      %get3A_1268 = arith.index_cast %scan3A_1255 : i32 to index
      %get3A_1269 = arith.constant 0 : index
      %get3A_1270 = vector.load %arg11[%get3A_1268, %get3A_1269] : memref<40x128xf32, #tpu.memory_space<vmem>>, vector<1x128xf32>
      %min3A_1271 = vector.broadcast %reshape3A_12 : vector<128x1xf32> to vector<128x128xf32>
      %min3A_1272 = vector.broadcast %get3A_1264 : vector<1x128xf32> to vector<128x128xf32>
      %min3A_1273 = arith.minimumf %min3A_1271, %min3A_1272 : vector<128x128xf32>
      %max3A_1274 = vector.broadcast %reshape3A : vector<128x1xf32> to vector<128x128xf32>
      %max3A_1275 = vector.broadcast %get3A_1258 : vector<1x128xf32> to vector<128x128xf32>
      %max3A_1276 = arith.maximumf %max3A_1274, %max3A_1275 : vector<128x128xf32>
      %sub3A_1277 = arith.subf %min3A_1273, %max3A_1276 : vector<128x128xf32>
      %max3A_1278 = arith.constant 0.000000e+00 : f32
      %max3A_1279 = vector.broadcast %max3A_1278 : f32 to vector<128x128xf32>
      %max3A_1280 = arith.maximumf %sub3A_1277, %max3A_1279 : vector<128x128xf32>
      %min3A_1281 = vector.broadcast %reshape3A_17 : vector<128x1xf32> to vector<128x128xf32>
      %min3A_1282 = vector.broadcast %get3A_1267 : vector<1x128xf32> to vector<128x128xf32>
      %min3A_1283 = arith.minimumf %min3A_1281, %min3A_1282 : vector<128x128xf32>
      %max3A_1284 = vector.broadcast %reshape3A_7 : vector<128x1xf32> to vector<128x128xf32>
      %max3A_1285 = vector.broadcast %get3A_1261 : vector<1x128xf32> to vector<128x128xf32>
      %max3A_1286 = arith.maximumf %max3A_1284, %max3A_1285 : vector<128x128xf32>
      %sub3A_1287 = arith.subf %min3A_1283, %max3A_1286 : vector<128x128xf32>
      %max3A_1288 = arith.constant 0.000000e+00 : f32
      %max3A_1289 = vector.broadcast %max3A_1288 : f32 to vector<128x128xf32>
      %max3A_1290 = arith.maximumf %sub3A_1287, %max3A_1289 : vector<128x128xf32>
      %mul3A_1291 = arith.mulf %max3A_1280, %max3A_1290 : vector<128x128xf32>
      %sub3A_1292 = arith.subf %get3A_1264, %get3A_1258 : vector<1x128xf32>
      %sub3A_1293 = arith.subf %get3A_1267, %get3A_1261 : vector<1x128xf32>
      %mul3A_1294 = arith.mulf %sub3A_1292, %sub3A_1293 : vector<1x128xf32>
      %add3A_1295 = vector.broadcast %mul3A : vector<128x1xf32> to vector<128x128xf32>
      %add3A_1296 = vector.broadcast %mul3A_1294 : vector<1x128xf32> to vector<128x128xf32>
      %add3A_1297 = arith.addf %add3A_1295, %add3A_1296 : vector<128x128xf32>
      %sub3A_1298 = arith.subf %add3A_1297, %mul3A_1291 : vector<128x128xf32>
      %eq3A_1299 = vector.broadcast %reshape3A_22 : vector<128x1xf32> to vector<128x128xf32>
      %eq3A_1300 = vector.broadcast %get3A_1270 : vector<1x128xf32> to vector<128x128xf32>
      %eq3A_1301 = arith.cmpf oeq, %eq3A_1299, %eq3A_1300 : vector<128x128xf32>
      %jit3A_1302 = arith.constant -1.000000e+00 : f32
      %broadcast_in_dim3A_1303 = vector.broadcast %jit3A_1302 : f32 to vector<128x128xf32>
      %select_n3A_1304 = arith.select %eq3A_1301, %broadcast_in_dim3A_1303, %mul3A_1291 : vector<128x128xi1>, vector<128x128xf32>
      %jit3A_1305 = arith.constant 1.000000e+00 : f32
      %broadcast_in_dim3A_1306 = vector.broadcast %jit3A_1305 : f32 to vector<128x128xf32>
      %select_n3A_1307 = arith.select %eq3A_1301, %broadcast_in_dim3A_1306, %sub3A_1298 : vector<128x128xi1>, vector<128x128xf32>
      %mul3A_1308 = arith.mulf %select_n3A_1304, %select_n3A_1250 : vector<128x128xf32>
      %mul3A_1309 = arith.mulf %select_n3A_1249, %select_n3A_1307 : vector<128x128xf32>
      %gt3A_1310 = arith.cmpf ogt, %mul3A_1308, %mul3A_1309 : vector<128x128xf32>
      %select_n3A_1311 = arith.select %gt3A_1310, %select_n3A_1304, %select_n3A_1249 : vector<128x128xi1>, vector<128x128xf32>
      %select_n3A_1312 = arith.select %gt3A_1310, %select_n3A_1307, %select_n3A_1250 : vector<128x128xi1>, vector<128x128xf32>
      %convert_element_type3A_1313 = arith.sitofp %scan3A_1255 : i32 to f32
      %broadcast_in_dim3A_1314 = vector.broadcast %convert_element_type3A_1313 : f32 to vector<128x128xf32>
      %select_n3A_1315 = arith.select %gt3A_1310, %broadcast_in_dim3A_1314, %select_n3A_1253 : vector<128x128xi1>, vector<128x128xf32>
      scf.yield %select_n3A_1311, %select_n3A_1312, %select_n3A_1315 : vector<128x128xf32>, vector<128x128xf32>, vector<128x128xf32>
    }
    %scan3A_33 = arith.constant 40 : i32
    %div3A = arith.divf %scan3A_32#0, %scan3A_32#1 : vector<128x128xf32>
    %reduce_max3A = arith.constant dense<0xFF800000> : vector<128xf32>
    %reduce_max3A_34 = vector.multi_reduction <maximumf>, %div3A, %reduce_max3A [1] : vector<128x128xf32> to vector<128xf32>
    %broadcast_in_dim3A_35 = vector.shape_cast %reduce_max3A_34 : vector<128xf32> to vector<128x1xf32>
    %eq3A = vector.broadcast %broadcast_in_dim3A_35 : vector<128x1xf32> to vector<128x128xf32>
    %eq3A_36 = arith.cmpf oeq, %div3A, %eq3A : vector<128x128xf32>
    %mul3A_37 = arith.constant 1.280000e+02 : f32
    %mul3A_38 = vector.broadcast %mul3A_37 : f32 to vector<128x128xf32>
    %mul3A_39 = arith.mulf %scan3A_32#2, %mul3A_38 : vector<128x128xf32>
    %add3A = vector.broadcast %convert_element_type3A : vector<1x128xf32> to vector<128x128xf32>
    %add3A_40 = arith.addf %mul3A_39, %add3A : vector<128x128xf32>
    %jit3A = arith.constant 1.000000e+09 : f32
    %broadcast_in_dim3A_41 = vector.broadcast %jit3A : f32 to vector<128x128xf32>
    %select_n3A = arith.select %eq3A_36, %add3A_40, %broadcast_in_dim3A_41 : vector<128x128xi1>, vector<128x128xf32>
    %reduce_min3A = arith.constant dense<0x7F800000> : vector<128xf32>
    %reduce_min3A_42 = vector.multi_reduction <minimumf>, %select_n3A, %reduce_min3A [1] : vector<128x128xf32> to vector<128xf32>
    %broadcast_in_dim3A_43 = vector.shape_cast %reduce_min3A_42 : vector<128xf32> to vector<128x1xf32>
    %gt3A = arith.constant 0.000000e+00 : f32
    %gt3A_44 = vector.broadcast %gt3A : f32 to vector<128x1xf32>
    %gt3A_45 = arith.cmpf ogt, %broadcast_in_dim3A_35, %gt3A_44 : vector<128x1xf32>
    %jit3A_46 = arith.constant 0.000000e+00 : f32
    %broadcast_in_dim3A_47 = vector.broadcast %jit3A_46 : f32 to vector<128x1xf32>
    %select_n3A_48 = arith.select %gt3A_45, %broadcast_in_dim3A_35, %broadcast_in_dim3A_47 : vector<128x1xi1>, vector<128x1xf32>
    %sub3A_49 = arith.constant 1.000000e+00 : f32
    %sub3A_50 = vector.broadcast %sub3A_49 : f32 to vector<128x1xf32>
    %sub3A_51 = arith.subf %sub3A_50, %select_n3A_48 : vector<128x1xf32>
    %get3A_52 = arith.constant 0 : index
    %get3A_53 = arith.constant 0 : index
    %get3A_54 = arith.constant 0 : index
    %get3A_55 = vector.load %arg6[%get3A_52, %get3A_53, %get3A_54] : memref<1x1x128xf32, #tpu.memory_space<vmem>>, vector<1x1x128xf32>
    %reshape3A_56 = vector.shape_cast %get3A_55 : vector<1x1x128xf32> to vector<128x1xf32>
    %mul3A_57 = arith.mulf %sub3A_51, %reshape3A_56 : vector<128x1xf32>
    %reshape3A_58 = vector.shape_cast %mul3A_57 : vector<128x1xf32> to vector<1x1x128xf32>
    %swap3A = arith.constant 0 : index
    %swap3A_59 = arith.constant 0 : index
    %swap3A_60 = arith.constant 0 : index
    %swap3A_61 = vector.load %arg12[%swap3A, %swap3A_59, %swap3A_60] : memref<1x1x128xf32, #tpu.memory_space<vmem>>, vector<1x1x128xf32>
    tpu.vector_store %arg12[%swap3A, %swap3A_59, %swap3A_60], %reshape3A_58 {strides = array<i32>} : memref<1x1x128xf32, #tpu.memory_space<vmem>>, vector<1x1x128xf32>,
    %jit3A_62 = arith.constant -1.000000e+00 : f32
    %broadcast_in_dim3A_63 = vector.broadcast %jit3A_62 : f32 to vector<128x1xf32>
    %select_n3A_64 = arith.select %gt3A_45, %sub3A_51, %broadcast_in_dim3A_63 : vector<128x1xi1>, vector<128x1xf32>
    %reshape3A_65 = vector.shape_cast %select_n3A_64 : vector<128x1xf32> to vector<1x1x128xf32>
    %swap3A_66 = arith.constant 0 : index
    %swap3A_67 = arith.constant 0 : index
    %swap3A_68 = arith.constant 0 : index
    %swap3A_69 = vector.load %arg13[%swap3A_66, %swap3A_67, %swap3A_68] : memref<1x1x128xf32, #tpu.memory_space<vmem>>, vector<1x1x128xf32>
    tpu.vector_store %arg13[%swap3A_66, %swap3A_67, %swap3A_68], %reshape3A_65 {strides = array<i32>} : memref<1x1x128xf32, #tpu.memory_space<vmem>>, vector<1x1x128xf32>,
    %convert_element_type3A_70 = arith.fptosi %broadcast_in_dim3A_43 : vector<128x1xf32> to vector<128x1xi32>
    %reshape3A_71 = vector.shape_cast %convert_element_type3A_70 : vector<128x1xi32> to vector<1x1x128xi32>
    %swap3A_72 = arith.constant 0 : index
    %swap3A_73 = arith.constant 0 : index
    %swap3A_74 = arith.constant 0 : index
    %swap3A_75 = vector.load %arg14[%swap3A_72, %swap3A_73, %swap3A_74] : memref<1x1x128xi32, #tpu.memory_space<vmem>>, vector<1x1x128xi32>
    tpu.vector_store %arg14[%swap3A_72, %swap3A_73, %swap3A_74], %reshape3A_71 {strides = array<i32>} : memref<1x1x128xi32, #tpu.memory_space<vmem>>, vector<1x1x128xi32>,
    return
  }
  func.func @transform_0(%arg0: i32) -> (i32, i32, i32) {
    %c0_i32 = arith.constant 0 : i32
    %c0_i32_0 = arith.constant 0 : i32
    %c0_i32_1 = arith.constant 0 : i32
    return %arg0, %c0_i32, %c0_i32_0 : i32, i32, i32
  }
  func.func @transform_1(%arg0: i32) -> (i32, i32, i32) {
    %c0_i32 = arith.constant 0 : i32
    %c0_i32_0 = arith.constant 0 : i32
    %c0_i32_1 = arith.constant 0 : i32
    return %arg0, %c0_i32, %c0_i32_0 : i32, i32, i32
  }
  func.func @transform_2(%arg0: i32) -> (i32, i32, i32) {
    %c0_i32 = arith.constant 0 : i32
    %c0_i32_0 = arith.constant 0 : i32
    %c0_i32_1 = arith.constant 0 : i32
    return %arg0, %c0_i32, %c0_i32_0 : i32, i32, i32
  }
  func.func @transform_3(%arg0: i32) -> (i32, i32, i32) {
    %c0_i32 = arith.constant 0 : i32
    %c0_i32_0 = arith.constant 0 : i32
    %c0_i32_1 = arith.constant 0 : i32
    return %arg0, %c0_i32, %c0_i32_0 : i32, i32, i32
  }
  func.func @transform_4(%arg0: i32) -> (i32, i32, i32) {
    %c0_i32 = arith.constant 0 : i32
    %c0_i32_0 = arith.constant 0 : i32
    %c0_i32_1 = arith.constant 0 : i32
    return %arg0, %c0_i32, %c0_i32_0 : i32, i32, i32
  }
  func.func @transform_5(%arg0: i32) -> (i32, i32, i32) {
    %c0_i32 = arith.constant 0 : i32
    %c0_i32_0 = arith.constant 0 : i32
    %c0_i32_1 = arith.constant 0 : i32
    return %arg0, %c0_i32, %c0_i32_0 : i32, i32, i32
  }
  func.func @transform_6(%arg0: i32) -> (i32, i32) {
    %c0_i32 = arith.constant 0 : i32
    %c0_i32_0 = arith.constant 0 : i32
    %c0_i32_1 = arith.constant 0 : i32
    return %c0_i32, %c0_i32_0 : i32, i32
  }
  func.func @transform_7(%arg0: i32) -> (i32, i32) {
    %c0_i32 = arith.constant 0 : i32
    %c0_i32_0 = arith.constant 0 : i32
    %c0_i32_1 = arith.constant 0 : i32
    return %c0_i32, %c0_i32_0 : i32, i32
  }
  func.func @transform_8(%arg0: i32) -> (i32, i32) {
    %c0_i32 = arith.constant 0 : i32
    %c0_i32_0 = arith.constant 0 : i32
    %c0_i32_1 = arith.constant 0 : i32
    return %c0_i32, %c0_i32_0 : i32, i32
  }
  func.func @transform_9(%arg0: i32) -> (i32, i32) {
    %c0_i32 = arith.constant 0 : i32
    %c0_i32_0 = arith.constant 0 : i32
    %c0_i32_1 = arith.constant 0 : i32
    return %c0_i32, %c0_i32_0 : i32, i32
  }
  func.func @transform_10(%arg0: i32) -> (i32, i32) {
    %c0_i32 = arith.constant 0 : i32
    %c0_i32_0 = arith.constant 0 : i32
    %c0_i32_1 = arith.constant 0 : i32
    return %c0_i32, %c0_i32_0 : i32, i32
  }
  func.func @transform_11(%arg0: i32) -> (i32, i32, i32) {
    %c0_i32 = arith.constant 0 : i32
    %c0_i32_0 = arith.constant 0 : i32
    %c0_i32_1 = arith.constant 0 : i32
    return %arg0, %c0_i32, %c0_i32_0 : i32, i32, i32
  }
  func.func @transform_12(%arg0: i32) -> (i32, i32, i32) {
    %c0_i32 = arith.constant 0 : i32
    %c0_i32_0 = arith.constant 0 : i32
    %c0_i32_1 = arith.constant 0 : i32
    return %arg0, %c0_i32, %c0_i32_0 : i32, i32, i32
  }
  func.func @transform_13(%arg0: i32) -> (i32, i32, i32) {
    %c0_i32 = arith.constant 0 : i32
    %c0_i32_0 = arith.constant 0 : i32
    %c0_i32_1 = arith.constant 0 : i32
    return %arg0, %c0_i32, %c0_i32_0 : i32, i32, i32
  }
}

</mosaic_0001>

<sc_bundles>
// kernel: kernel.4.cloned.1.call-start
scs
__scs_entry_jumppad:
0x0: {  	(pc) =	sbr.rel $0x88, $3  }
0x1: {  	(tag) =	ssettag $0x0;
	lr =	simm.s32 $0x1  }
0x2: {  	[smem:$0x3F9F] =	sst lr;
	_ =	strace $0xD0000000  }
0x3: {  	_ = 	snop  }
0x4: {  	_ = 	snop  }
0x5: {  	_ = 	snop  }
0x6: {  	_ = 	snop  }
0x7: {  	_ = 	snop  }
__scs_overlays_trampoline_lowered:
0x8: {  	[smem:$0x3FAE] =	sst s0  }
0x9: {  	[smem:$0x3FAF] =	sst s1  }
0xa: {  	[smem:$0x3FB0] =	sst s2  }
0xb: {  	[smem:$0x3FB1] =	sst s3  }
0xc: {  	[smem:$0x3FB2] =	sst s4  }
0xd: {  	[smem:$0x3FB3] =	sst s5  }
0xe: {  	[smem:$0x3FB4] =	sst s6  }
0xf: {  	[smem:$0x3FB5] =	sst s7  }
0x10: {  	[smem:$0x3FB6] =	sst s8  }
0x11: {  	[smem:$0x3FB7] =	sst s9;
	s0 =	simm.s32 @!p0 $0x0  }
0x12: {  	s1 =	sld [smem:$0x3F9D];
	s0 =	simm.s32 @p0 $0x1  }
0x13: {  	[smem:$0x3FB8] =	sst s0;
	s0 =	simm.s32 @!p1 $0x0  }
0x14: {  	s2 =	sld [smem:$0x3F9C];
	s0 =	simm.s32 @p1 $0x1  }
0x15: {  	[smem:$0x3FB9] =	sst s0;
	s0 =	simm.s32 @!p2 $0x0  }
0x16: {  	s3 =	sld [smem:$0x3FDB];
	s0 =	simm.s32 @p2 $0x1  }
0x17: {  	s4 =	simm.s32 $0x1BF5;
	[smem:$0x3FBB] =	sst s0  }
0x18: {  	s0 =	sld [smem:$0x3F9E];
	_ =	swait.ge [sflag:s4], $0x0  }
0x19: {  	s7 =	sld [smem:$0x3F9F]  }
0x1a: {  	s8 =	sadd.s32 $0xFFFFE003, lr  }
0x1b: {  	s9 =	sadd.s32 $0xFFFFFEF7, lr;
	s5 =	simm.s32 $0xFFFFFFFF;
	p2 =	slt.u32 s8, $0xFFFFF086  }
0x1c: {  	p1 =	slt.u32 s9, $0xF7A;
	s5 =	simm.s32 @!p2 $0x0  }
0x1d: {  	s5 =	simm.s32 @p1 $0x1;
	p0 =	seq.s32 s7, s2  }
0x1e: {  	s7 =	smul.u32 @!p0 $0xF7A, s2;
	p2 =	seq.s32 @!p0 s5, $0x0  }
0x1f: {  	s9 =	smul.u32 $0xF7A, s1;
	s8 =	simm.s32 @!p0 $0x1BF5;
	p2 =	por !p2, p0  }
0x20: {  	[sflag:s8] =	ssyncset.s32 @!p0 $0xFFFFF086;
	s6 =	sadd.s32 @!p0 s3, s7;
	s7 =	simm.s32 @!p0 $0x108  }
0x21: {  	s3 =	sadd.s32 s3, s9;
	s6 =	sadd.s32 @!p0 $0x88, s6;
	s7 =	simm.s32 @p2 $0x1082  }
0x22: {  	[simem:s7], [sflag:s8] =	dma.local @!p0 [hbm:s6], $0xF7A  }
0x23: {  	s9 =	sor.u32 $0xD0000000, s2;
	s6 =	simm.s32 $0x108;
	_ =	swait.ge @!p0 [sflag:s8], $0x0  }
0x24: {  	s3 =	sadd.s32 $0x88, s3;
	s6 =	simm.s32 @!p1 $0x1082;
	[sflag:s4] =	ssyncset.s32 $0xFFFFF086  }
0x25: {  	[simem:s6], [sflag:s4] =	dma.local [hbm:s3], $0xF7A  }
0x26: {  	[smem:$0x3F9F] =	sst s1;
	(tag) =	ssettag s2;
	_ =	strace s9  }
0x27: {  	s1 =	sld [smem:$0x3FAF]  }
0x28: {  	s2 =	sld [smem:$0x3FB0]  }
0x29: {  	s4 =	sld [smem:$0x3FB2]  }
0x2a: {  	p0 =	seq.s32 s5, $0x0;
	s5 =	sld [smem:$0x3FB3]  }
0x2b: {  	s6 =	sld [smem:$0x3FB4]  }
0x2c: {  	s7 =	sld [smem:$0x3FB5]  }
0x2d: {  	s3 =	simm.s32 $0x108;
	s8 =	sld [smem:$0x3FB6]  }
0x2e: {  	s3 =	simm.s32 @!p0 $0x1082;
	s9 =	sld [smem:$0x3FB7]  }
0x2f: {  	lr =	sadd.s32 s0, s3;
	s0 =	sld [smem:$0x3FAE]  }
0x30: {  	s3 =	sld [smem:$0x3FB1]  }
0x31: {  	[smem:$0x3FBA] =	sst s10  }
0x32: {  	s10 =	sld [smem:$0x3FB8];
	_ =	sdelay $0x3  }
0x33: {  	p0 =	seq.s32 s10, $0x1;
	s10 =	sld [smem:$0x3FBA];
	_ =	sdelay $0x3  }
0x34: {  	[smem:$0x3FBA] =	sst s10  }
0x35: {  	s10 =	sld [smem:$0x3FB9];
	_ =	sdelay $0x3  }
0x36: {  	p1 =	seq.s32 s10, $0x1;
	s10 =	sld [smem:$0x3FBA];
	_ =	sdelay $0x3  }
0x37: {  	[smem:$0x3FBA] =	sst s10  }
0x38: {  	s10 =	sld [smem:$0x3FBB]  }
0x39: {  	_ = 	snop;
	(pc) =	sbr.ind lr, $3  }
0x3a: {  	_ = 	snop  }
0x3b: {  	_ = 	snop  }
0x3c: {  	p2 =	seq.s32 s10, $0x1;
	s10 =	sld [smem:$0x3FBA]  }
0x3d: {  	_ =	shalt  }
0x3e: {  	_ =	shalt  }
0x3f: {  	_ =	shalt  }
0x40: {  	_ =	shalt  }
0x41: {  	_ =	shalt  }
0x42: {  	_ =	shalt  }
0x43: {  	_ =	shalt  }
0x44: {  	_ =	shalt  }
0x45: {  	_ =	shalt  }
0x46: {  	_ =	shalt  }
0x47: {  	_ =	shalt  }
0x48: {  	_ =	shalt  }
0x49: {  	_ =	shalt  }
0x4a: {  	_ =	shalt  }
0x4b: {  	_ =	shalt  }
0x4c: {  	_ =	shalt  }
0x4d: {  	_ =	shalt  }
0x4e: {  	_ =	shalt  }
0x4f: {  	_ =	shalt  }
0x50: {  	_ =	shalt  }
0x51: {  	_ =	shalt  }
0x52: {  	_ =	shalt  }
0x53: {  	_ =	shalt  }
0x54: {  	_ =	shalt  }
0x55: {  	_ =	shalt  }
0x56: {  	_ =	shalt  }
0x57: {  	_ =	shalt  }
0x58: {  	_ =	shalt  }
0x59: {  	_ =	shalt  }
0x5a: {  	_ =	shalt  }
0x5b: {  	_ =	shalt  }
0x5c: {  	_ =	shalt  }
0x5d: {  	_ =	shalt  }
0x5e: {  	_ =	shalt  }
0x5f: {  	_ =	shalt  }
0x60: {  	_ =	shalt  }
0x61: {  	_ =	shalt  }
0x62: {  	_ =	shalt  }
0x63: {  	_ =	shalt  }
0x64: {  	_ =	shalt  }
0x65: {  	_ =	shalt  }
0x66: {  	_ =	shalt  }
0x67: {  	_ =	shalt  }
0x68: {  	_ =	shalt  }
0x69: {  	_ =	shalt  }
0x6a: {  	_ =	shalt  }
0x6b: {  	_ =	shalt  }
0x6c: {  	_ =	shalt  }
0x6d: {  	_ =	shalt  }
0x6e: {  	_ =	shalt  }
0x6f: {  	_ =	shalt  }
0x70: {  	_ =	shalt  }
0x71: {  	_ =	shalt  }
0x72: {  	_ =	shalt  }
0x73: {  	_ =	shalt  }
0x74: {  	_ =	shalt  }
0x75: {  	_ =	shalt  }
0x76: {  	_ =	shalt  }
0x77: {  	_ =	shalt  }
0x78: {  	_ =	shalt  }
0x79: {  	_ =	shalt  }
0x7a: {  	_ =	shalt  }
0x7b: {  	_ =	shalt  }
0x7c: {  	_ =	shalt  }
0x7d: {  	_ =	shalt  }
0x7e: {  	_ =	shalt  }
0x7f: {  	_ =	shalt  }
0x80: {  	_ =	shalt  }
0x81: {  	_ =	shalt  }
0x82: {  	_ =	shalt  }
0x83: {  	_ =	shalt  }
0x84: {  	_ =	shalt  }
0x85: {  	_ =	shalt  }
0x86: {  	_ =	shalt  }
0x87: {  	_ =	shalt  }
.Lfunc_end0:
.L_simem_size_0:
called_computation_lowered:
.L_overlay_start_0:
0x88: {  	s2 =	sld [smem:$0x3FD9]  }
0x89: {  	s3 =	sld [smem:$0x3FFE];
	_ =	sdelay $0x1  }
0x8a: {  	s1 =	srdreg.scid  }
0x8b: {  	s0 =	sand.u32 $0x1, s1  }
0x8c: {  	s17 =	sshll.u32 s0, $0xA;
	s2 =	sadd.s32 s3, s2  }
0x8d: {  	s2 =	sadd.s32 s2, s17  }
0x8e: {  	[smem:$0x3FC6] =	sst s2  }
0x8f: {  	_ = 	snop  }
0x90: {  	s2 =	sld [smem:$0x3FD0];
	(tm) =	ssettm $0x1  }
0x91: {  	s18 =	sld [smem:$0x3FFB];
	_ =	sdelay $0x3  }
0x92: {  	_ =	strace s18  }
0x93: {  	s3 =	sld [smem:$0x3FFC];
	_ =	sdelay $0x3  }
0x94: {  	_ =	strace s3  }
0x95: {  	s3 =	sld [smem:$0x3FFD];
	_ =	sdelay $0x3  }
0x96: {  	_ =	strace s3  }
0x97: {  	_ =	strace $0x8FFFFFFF  }
0x98: {  	s19 =	sld [smem:$0x3FDB];
	_ =	sdelay $0x1  }
0x99: {  	s4 =	simm.s32 $_scs_section_size  }
0x9a: {  	s5 =	simm.s32 $_size__tile_overlayer_lowered;
	s6 =	simm.s32 $_tile_overlayer_lowered  }
0x9b: {  	s22 =	simm.s32 $0x1BFF;
	s21 =	sshll.u32 s6, $0x1;
	s3 =	sadd.s32 s4, s19  }
0x9c: {  	s7 =	simm.s32 $0x0;
	s20 =	sshll.u32 s5, $0x1;
	s5 =	sadd.s32 s21, s3  }
0x9d: {  	[timem:s7], [sflag:s22] =	dma.local [hbm:s5], s20  }
0x9e: {  	_ =	swait.ge [sflag:s22], s20  }
0x9f: {  	s4 =	ssub.s32 $0x0, s20;
	[sflag:s22] =	ssyncset.done $0x0  }
0xa0: {  	[sflag:s22] =	ssyncadd.s32 s4;
	_ =	sdelay $0x1  }
0xa1: {  	s23 =	simm.s32 $0x1B8B  }
0xa2: {  	_ =	swait.ge [sflag:s23], $0x1  }
0xa3: {  	[sflag:s23] =	ssyncset.done $0x0  }
0xa4: {  	s25 =	simm.s32 $0x1B8E;
	s24 =	sld [smem:$0x3FFE];
	[sflag:s23] =	ssyncadd.s32 $0xFFFFFFFF  }
0xa5: {  	s26 =	simm.s32 $execute0_lowered;
	[smem:$0x3FD2] =	sst s25  }
0xa6: {  	s5 =	sshll.u32 s26, $0x1;
	_ =	strace $0x80000046;
	[dreg:$0x1] =	wrdreg $0xFFFFFFFF  }
0xa7: {  	s28 =	simm.s32 $_size_execute0_lowered;
	s3 =	sadd.s32 s3, s5;
	[dreg:$0x0] =	wrdreg $0x0  }
0xa8: {  	s5 =	sshll.u32 s28, $0x1;
	[dreg:$0x2] =	wrdreg s3  }
0xa9: {  	[dreg:$0x3] =	wrdreg s5  }
0xaa: {  	[dreg:$0x4] =	wrdreg $0xC0  }
0xab: {  	_ =	task [dreg:s7], $0x5FFFF  }
0xac: {  	[dreg:$0x1] =	wrdreg $0xFFFFFFFF  }
0xad: {  	[dreg:$0x0] =	wrdreg $0x60  }
0xae: {  	[dreg:$0x2] =	wrdreg s2  }
0xaf: {  	[dreg:$0x3] =	wrdreg s24  }
0xb0: {  	[dreg:$0x4] =	wrdreg $0x9  }
0xb1: {  	_ =	task.clear_ibuf [dreg:s7], $0x5FFFF;
	_ =	strace $0x90000046  }
0xb2: {  	s29 =	simm.s32 $0x9;
	_ =	strace $0x80000048  }
0xb3: {  	_ =	swait.ge [sflag:s29], $0x1  }
0xb4: {  	[sflag:s29] =	ssyncadd.s32 $0xFFFFFFFF  }
0xb5: {  	_ =	strace $0x90000048  }
0xb6: {  	_ =	sfence  }
0xb7: {  	s30 =	sld [smem:$0x0];
	_ =	sdelay $0x2  }
0xb8: {  	s31 =	sshll.u32 s1, $0xD;
	s1 =	sshrl.u32 s1, $0x2  }
0xb9: {  	s3 =	sand.u32 $0x4000, s31;
	s1 =	sadd.s32 s1, s30  }
0xba: {  	s0 =	sor.u32 s3, s0;
	s1 =	sshll.u32 s1, $0x11  }
0xbb: {  	s0 =	sor.u32 s1, s0  }
0xbc: {  	s0 =	sadd.s32 $0x8F2B, s0  }
0xbd: {  	[sflag:s0] =	ssyncadd.remote.s32 $0x1  }
0xbe: {  	_ =	sfence.sel $0xFFFF  }
0xbf: {  	[dreg:$0x0] =	wrdreg $0xFFFFFFFF;
	(pc) =	sbr.abs _section_cstart, $3  }
0xc0: {  	[dreg:$0x1] =	wrdreg $0xFFFFFFFF  }
0xc1: {  	_ =	task.clear_ibuf [dreg:s7], $0x2FFFF;
	_ =	strace $0x9FFFFFFF  }
0xc2: {  	(tm) =	ssettm $0x7FFFFFFF  }
0xc3: {  	_ =	shalt  }
tec
execute0_lowered:
.L_overlay_start_1:
0x0: {  	(tag) =	ssettag $0x1  }
0x1: {  	v0 =	vimm.s32 $0xEDCBA987;
	v1 =	vimm.s32 $0x65432100;
	v2 =	vimm.s32 $0xDCBA9876  }
0x2: {  	v3 =	vimm.s32 $0x54321000;
	v8 =	vimm.s32 $0xFFEDCBA9;
	v0 =	vunpack.c.l.s4.s8 v0  }
0x3: {  	v9 =	vimm.s32 $0x87654321;
	v1 =	vunpack.c.l.s4.s8 v1;
	v2 =	vunpack.c.l.s4.s8 v2  }
0x4: {  	s3 =	rddreg [dreg:$0x0];
	vm0 =	vcmask $0x3F04;
	v3 =	vunpack.c.l.s4.s8 v3;
	v4 =	vunpack.c.0.s8.s32 v0  }
0x5: {  	s1 =	srdreg.scid;
	s11 =	rddreg [dreg:$0x1];
	vm3 =	vcmask $0x3F30;
	v5 =	vunpack.c.0.s8.s32 v1;
	v6 =	vunpack.c.0.s8.s32 v2  }
0x6: {  	s0 =	stileid.u32;
	s4 =	rddreg [dreg:$0x2];
	v8 =	vunpack.c.l.s4.s8 v8;
	v7 =	vunpack.c.0.s8.s32 v3;
	v4 =	vand.u32 $0xF, v4  }
0x7: {  	s5 =	simm.s32 $0x0;
	s16 =	simm.s32 $0x6580;
	s17 =	simm.s32 $0x7A00;
	v9 =	vunpack.c.l.s4.s8 v9;
	v3 =	vcombine.low v5, v4;
	v4 =	vand.u32 $0xF, v6  }
0x8: {  	s18 =	simm.s32 $0xCB00;
	s19 =	simm.s32 $0xCB80;
	s20 =	simm.s32 $0xCC00;
	v5 =	vimm.s32 $0x32100000;
	v6 =	vimm.s32 $0xBA987654;
	v4 =	vcombine.low v7, v4  }
0x9: {  	s21 =	simm.s32 $0xD400;
	s22 =	simm.s32 $0x0;
	s10 =	sand.u32 $0x1, s1;
	v7 =	vunpack.c.l.s4.s8 v5;
	v5 =	vunpack.c.l.s4.s8 v6;
	v6 =	vimm.s32 $0xE40000  }
0xa: {  	vm1 =	vcmask $0x3F08;
	vm2 =	vcmask $0x3F10;
	s29 =	sshll.u32 s0, $0x1;
	[smem:$0x7FF] =	sst s5;
	s6 =	sadd.s32 $0x1E00, s11;
	v6 =	vunpack.c.l.s2.s4 v6  }
0xb: {  	vm4 =	vcmask $0x3F3C;
	s7 =	sadd.s32 $0x2200, s11;
	s8 =	sadd.s32 $0x2600, s11;
	s9 =	sor.u32 s10, s29;
	v8 =	vunpack.c.0.s8.s32 v8;
	v9 =	vunpack.c.0.s8.s32 v9  }
0xc: {  	s15 =	sshll.u32 s0, $0x4;
	_ =	strace $0x80000047;
	s1 =	sshll.u32 s9, $0x3;
	v2 =	vimm.f32 $0.0e+00;
	v10 =	vunpack.c.0.s8.s32 v5;
	v11 =	vunpack.c.l.s4.s8 v6  }
0xd: {  	s30 =	ssub.s32 $0x2, s10;
	s14 =	sshll.u32 s10, $0x3;
	s12 =	sshll.u32 s9, $0xA;
	v1 =	vmov s1;
	v9 =	vcombine.low v9, v8;
	v7 =	vunpack.c.0.s8.s32 v7  }
0xe: {  	s9 =	sadd.s32 $0x1A00, s11;
	s13 =	sshrl.u32 s30, $0x1;
	s2 =	sadd.s32 $0x8, s1;
	v6 =	vand.u32 $0xF, v10;
	v10 =	vimm.s32 $0x7060504;
	v11 =	vunpack.c.0.s8.s32 v11  }
0xf: {  	s31 =	sor.u32 s15, s14;
	s14 =	simm.s32 $0x2880;
	s15 =	simm.s32 $0x5100;
	v0 =	vmov s2;
	v9 =	vand.u32 $0xF, v9;
	v8 =	vunpack.c.0.s8.s32 v10  }
0x10: {  	s11 =	sadd.s32 s12, s11;
	s12 =	ssub.s32 s30, s13;
	s13 =	simm.s32 $0x1;
	v5 =	vimm.f32 $-1.000000000e+00;
	v6 =	vcombine.low v7, v6;
	v10 =	vand.u32 $0x3, v11  }
0x11: {  	s10 =	sadd.s32 $0x2A00, s11;
	s11 =	smax.u32 s12, $0x1;
	s12 =	ssub.s32 $0x0, s31;
	v7 =	vlaneseq.u32;
	v8 =	vsel vm3, v8, v10;
	vm3 =	vcmask $0x3F20  }
.LBB2_1:
0x12: {  	[tilespmem:s5], [sflag:$0x1] =	stream.linear.gather [hbm4b:s3+s5], $0x2880, $0x38;
	[tilespmem:$0xF400] =	vst v63  }
0x13: {  	_ =	swait.ge [sflag:s13], $0x2880  }
0x14: {  	[sflag:s13] =	ssyncset.done $0x0  }
0x15: {  	[sflag:s13] =	ssyncadd.s32 $0xFFFFD780  }
0x16: {  	[tilespmem:s14], [sflag:$0x1] =	stream.linear.gather [hbm4b:s6+s5], $0x1400, $0x38;
	[tilespmem:$0xF400] =	vst v63  }
0x17: {  	_ =	swait.ge [sflag:s13], $0x1400  }
0x18: {  	[sflag:s13] =	ssyncset.done $0x0  }
0x19: {  	[sflag:s13] =	ssyncadd.s32 $0xFFFFEC00  }
0x1a: {  	[tilespmem:s15], [sflag:$0x1] =	stream.linear.gather [hbm4b:s7+s5], $0x1480, $0x38;
	[tilespmem:$0xF400] =	vst v63  }
0x1b: {  	_ =	swait.ge [sflag:s13], $0x1480  }
0x1c: {  	[sflag:s13] =	ssyncset.done $0x0  }
0x1d: {  	[sflag:s13] =	ssyncadd.s32 $0xFFFFEB80  }
0x1e: {  	[tilespmem:s16], [sflag:$0x1] =	stream.linear.gather [hbm4b:s8+s5], $0x1480, $0x38;
	[tilespmem:$0xF400] =	vst v63  }
0x1f: {  	_ =	swait.ge [sflag:s13], $0x1480  }
0x20: {  	[sflag:s13] =	ssyncset.done $0x0  }
0x21: {  	[sflag:s13] =	ssyncadd.s32 $0xFFFFEB80  }
0x22: {  	[tilespmem:s17], [sflag:$0x1] =	stream.linear.gather [hbm4b:s9+s5], $0x1400, $0x38;
	[tilespmem:$0xF400] =	vst v63  }
0x23: {  	_ =	swait.ge [sflag:s13], $0x1400  }
0x24: {  	[sflag:s13] =	ssyncset.done $0x0  }
0x25: {  	s23 =	simm.s32 $0x40;
	s24 =	simm.s32 $0x0;
	[sflag:s13] =	ssyncadd.s32 $0xFFFFEC00  }
.LBB2_2:
0x26: {  	p0 =	sne.s32 s23, $0x1FC0;
	[tilespmem:s24+$0xCC00] =	vst v2;
	s24 =	smov.u32 s23;
	s23 =	sadd.s32 $0x40, s23  }
.Ltmp0:
0x27: {  	(pc) =	sbr.rel @p0 .LBB2_2-.Ltmp0, $2  }
0x28: {  	_ =	sdelay $0x2  }
0x29: {  	s24 =	sshra.s32 s24, $0x2  }
0x2a: {  	[tilespmem:s24+$0xCC00] =	vst v2;
	s23 =	simm.s32 $0x0;
	s24 =	simm.s32 $0x40;
	s25 =	simm.s32 $0x0  }
.LBB2_4:
0x2b: {  	p0 =	sne.s32 s24, $0x5000;
	[tilespmem:s25+$0x8E00] =	vst v5;
	s25 =	smov.u32 s24;
	s24 =	sadd.s32 $0x40, s24  }
.Ltmp1:
0x2c: {  	(pc) =	sbr.rel @p0 .LBB2_4-.Ltmp1, $2  }
0x2d: {  	_ =	sdelay $0x2  }
0x2e: {  	s25 =	sshra.s32 s25, $0x2  }
0x2f: {  	[tilespmem:s25+$0x8E00] =	vst v5  }
0x30: {  	v10 =	vld [tilespmem:s23+$0x0];
	_ =	sdelay $0x4  }
0x31: {  	v11 =	vshrl.u32 v10, $0x8  }
0x32: {  	v10 =	vshrl.u32 v10, $0x18;
	v11 =	vand.u32 $0xFF, v11  }
0x33: {  	vm6 =	vgt.u32 v10, v1;
	vm5 =	vlt.u32 v11, v0  }
0x34: {  	vm5 =	vmand vm6, vm5  }
0x35: {  	v10 =	vmpcnt.ones.xlane vm5;
	_ =	sdelay $0x1  }
0x36: {  	(v2sf) =	vpush v10, $0x0;
	_ =	sdelay $0x2  }
0x37: {  	v11 =	vor.u32 s23, v7  }
0x38: {  	s24 =	simm.s32 $0x10;
	[tilespmem:s23+$0xA280] =	vst.msk vm5, v11  }
0x39: {  	s25 =	simm.s32 $0x20;
	s26 =	simm.s32 $0x10;
	v10 =	vld [tilespmem:s24+$0x0]  }
.LBB2_6:
0x3a: {  	p0 =	sne.s32 s25, $0x27F0;
	_ =	sdelay $0x3  }
0x3b: {  	v11 =	vshrl.u32 v10, $0x8  }
0x3c: {  	v10 =	vshrl.u32 v10, $0x18;
	v11 =	vand.u32 $0xFF, v11  }
0x3d: {  	vm6 =	vgt.u32 v10, v1;
	vm5 =	vlt.u32 v11, v0  }
0x3e: {  	vm5 =	vmand vm6, vm5  }
0x3f: {  	v10 =	vmpcnt.ones.xlane vm5  }
0x40: {  	s28 =	spop (v2sf)  }
0x41: {  	v11 =	vor.u32 s24, v7;
	s24 =	smov.u32 s25;
	(v2sf) =	vpush v10, $0x0;
	s23 =	sadd.s32 s23, s28  }
.Ltmp2:
0x42: {  	[tilespmem:s23+$0xA280] =	vst.msk vm5, v11;
	(pc) =	sbr.rel @p0 .LBB2_6-.Ltmp2, $3  }
0x43: {  	_ =	sdelay $0x1  }
0x44: {  	s26 =	sadd.s32 $0x10, s26  }
0x45: {  	s25 =	sadd.s32 $0x10, s25;
	v10 =	vld [tilespmem:s26+$0x0]  }
0x46: {  	_ =	sdelay $0x3  }
0x47: {  	v11 =	vshrl.u32 v10, $0x8  }
0x48: {  	v10 =	vshrl.u32 v10, $0x18;
	v11 =	vand.u32 $0xFF, v11  }
0x49: {  	vm6 =	vgt.u32 v10, v1;
	vm5 =	vlt.u32 v11, v0  }
0x4a: {  	vm5 =	vmand vm6, vm5  }
0x4b: {  	v10 =	vmpcnt.ones.xlane vm5;
	_ =	sdelay $0x1  }
0x4c: {  	(v2sf) =	vpush v10, $0x0;
	_ =	sdelay $0xd  }
0x4d: {  	s25 =	spop (v2sf)  }
0x4e: {  	v10 =	vor.u32 s24, v7;
	s23 =	sadd.s32 s23, s25;
	s31 =	spop (v2sf)  }
0x4f: {  	s24 =	simm.s32 $0x0;
	s25 =	simm.s32 $0x0;
	[tilespmem:s23+$0xA280] =	vst.msk vm5, v10;
	s23 =	sadd.s32 s23, s31  }
.LBB2_8:
0x50: {  	s26 =	sshra.s32 s25, $0x2  }
0x51: {  	v10 =	vld [tilespmem:s26+$0x6580]  }
0x52: {  	v11 =	vld [tilespmem:s26+$0x5100];
	_ =	sdelay $0x4  }
0x53: {  	vm5 =	vge.f32 v11, $0.0e+00;
	v10 =	vxor.u32 $0x80000000, v10  }
0x54: {  	v10 =	vnsel vm5, $0x80001400, v10  }
0x55: {  	(xrf1) =	vsort.ascd.msk.u32 $0xffff, v10, v11;
	_ =	sdelay $0xd  }
0x56: {  	v10, v11, _ =	vpop (xrf1)  }
0x57: {  	v10 =	vxor.u32 $0x80000000, v10;
	[tilespmem:$0xCB80] =	vst v11  }
0x58: {  	[tilespmem:$0xCB00] =	vst v10  }
0x59: {  	v12 =	vld.idx.msk [tilespmem:v3+s18+$0x0], $0xffff  }
0x5a: {  	v13 =	vld.idx.msk [tilespmem:v3+s19+$0x0], $0xffff;
	_ =	sdelay $0x3  }
0x5b: {  	vm5 =	veq.s32 v12, v10  }
0x5c: {  	v53 =	vmax.f32 v11, v13;
	vm5 =	vmand vm5, vm0  }
0x5d: {  	v11 =	vsel vm5, v53, v11  }
0x5e: {  	[tilespmem:$0xCB80] =	vst v11  }
0x5f: {  	v54 =	vld.idx.msk [tilespmem:v4+s18+$0x0], $0xffff  }
0x60: {  	v55 =	vld.idx.msk [tilespmem:v4+s19+$0x0], $0xffff;
	_ =	sdelay $0x3  }
0x61: {  	vm5 =	veq.s32 v54, v10  }
0x62: {  	v56 =	vmax.f32 v11, v55;
	vm5 =	vmand vm5, vm1  }
0x63: {  	v11 =	vsel vm5, v56, v11  }
0x64: {  	[tilespmem:$0xCB80] =	vst v11  }
0x65: {  	v57 =	vld.idx.msk [tilespmem:v6+s18+$0x0], $0xffff  }
0x66: {  	v58 =	vld.idx.msk [tilespmem:v6+s19+$0x0], $0xffff;
	_ =	sdelay $0x3  }
0x67: {  	vm5 =	veq.s32 v57, v10  }
0x68: {  	v59 =	vmax.f32 v11, v58;
	vm5 =	vmand vm5, vm2  }
0x69: {  	v11 =	vsel vm5, v59, v11  }
0x6a: {  	[tilespmem:$0xCB80] =	vst v11  }
0x6b: {  	v60 =	vld.idx.msk [tilespmem:v9+s18+$0x0], $0xffff;
	_ =	sdelay $0x3  }
0x6c: {  	v61 =	vld.idx.msk [tilespmem:v8+s18+$0x0], $0xffff  }
0x6d: {  	v14 =	vld.idx.msk [tilespmem:v8+s19+$0x0], $0xffff;
	vm5 =	vne.s32 v60, v10  }
0x6e: {  	s26 =	simm.s32 $0x8E00;
	vm6 =	vlt.s32 v10, $0x1400;
	vm5 =	vmor vm5, vm4  }
0x6f: {  	v62 =	vld.idx.msk [tilespmem:v10+s26+$0x0], $0xffff;
	vm5 =	vmand vm6, vm5  }
0x70: {  	p0 =	seq.s32 s25, $0x4FC0  }
.Ltmp3:
0x71: {  	vm6 =	veq.s32 v61, v10;
	(pc) =	sbr.rel @!p0 .LBB2_8-.Ltmp3, $4  }
0x72: {  	v63 =	vmax.f32 v11, v14;
	vm6 =	vmand vm6, vm3  }
0x73: {  	v11 =	vsel vm6, v63, v11  }
0x74: {  	v11 =	vmax.f32 v62, v11  }
0x75: {  	s25 =	sadd.s32 $0x40, s25;
	[tilespmem:v10+s26+$0x0] =	vst.idx.msk vm5, v11  }
0x76: {  	s25 =	simm.s32 $0x7A00;
	v11 =	vld [tilespmem:s26+$0x0]  }
0x77: {  	s28 =	simm.s32 $0x10;
	v10 =	vld [tilespmem:s25+$0x0]  }
.LBB2_10:
0x78: {  	p0 =	seq.s32 s28, $0x13F0;
	_ =	sdelay $0x3  }
0x79: {  	v12 =	vmul.f32 v10, v11  }
.Ltmp4:
0x7a: {  	vm5 =	vge.f32 v11, $0.0e+00;
	(pc) =	sbr.rel @!p0 .LBB2_10-.Ltmp4, $4  }
0x7b: {  	s29 =	sand.u32 $0x1FF0, s24;
	s24 =	smov.u32 s28;
	v10 =	vsel vm5, v12, v10  }
0x7c: {  	s25 =	sadd.s32 $0x10, s25;
	[tilespmem:s29+$0x3C80] =	vst v10  }
0x7d: {  	s26 =	sadd.s32 $0x10, s26;
	v10 =	vld [tilespmem:s25+$0x0]  }
0x7e: {  	s28 =	sadd.s32 $0x10, s28;
	v11 =	vld [tilespmem:s26+$0x0]  }
0x7f: {  	_ =	sdelay $0x1  }
0x80: {  	p0 =	sgt.s32 s23, $0x0  }
.Ltmp5:
0x81: {  	_ = 	snop;
	(pc) =	sbr.rel @p0 .LBB2_12-.Ltmp5, $4  }
0x82: {  	v12 =	vmul.f32 v10, v11  }
0x83: {  	vm5 =	vge.f32 v11, $0.0e+00  }
0x84: {  	s24 =	sand.u32 $0x1FF0, s24;
	v10 =	vsel vm5, v12, v10  }
0x85: {  	[tilespmem:s24+$0x3C80] =	vst v10;
	s24 =	simm.s32 $0x0  }
.LBB2_21:
0x86: {  	s23 =	simm.s32 $0x0;
	s24 =	simm.s32 $0x0  }
.LBB2_22:
0x87: {  	s25 =	sshll.u32 s24, $0x8;
	v11 =	vor.u32 s23, v7  }
0x88: {  	v10 =	vmov s25;
	v11 =	vshrl.u32 v11, $0x1  }
0x89: {  	v11 =	vor.u32 v10, v11;
	_ =	sdelay $0x2  }
0x8a: {  	s31 =	sshll.u32 s24, $0xA  }
0x8b: {  	s26 =	simm.s32 $0x10;
	s25 =	sand.u32 $0x3FFFFC00, s31  }
0x8c: {  	s29 =	simm.s32 $0x20;
	s28 =	simm.s32 $0x0;
	v12 =	vor.u32 s26, v7;
	s25 =	sadd.s32 $0xD400, s25;
	v11 =	vld.idx.msk [tilespmem:v11+s20+$0x0], $0xffff  }
.LBB2_23:
0x8d: {  	p0 =	sne.s32 s29, $0x1F0;
	v12 =	vshrl.u32 v12, $0x1  }
0x8e: {  	s30 =	sand.u32 $0x180, s28;
	v12 =	vor.u32 v10, v12  }
0x8f: {  	s31 =	sand.u32 $0x70, s28;
	s28 =	smov.u32 s26;
	s30 =	sadd.s32 s30, s25  }
.Ltmp6:
0x90: {  	s26 =	smov.u32 s29;
	s30 =	sadd.s32 s31, s30;
	(pc) =	sbr.rel @p0 .LBB2_23-.Ltmp6, $4  }
0x91: {  	[tilespmem:s30+$0x0] =	vst v11  }
0x92: {  	[tilespmem:s30+$0x200] =	vst v11  }
0x93: {  	v11 =	vld.idx.msk [tilespmem:v12+s20+$0x0], $0xffff  }
0x94: {  	s29 =	sadd.s32 $0x10, s29;
	v12 =	vor.u32 s26, v7  }
0x95: {  	v12 =	vshrl.u32 v12, $0x1  }
0x96: {  	s29 =	sand.u32 $0x180, s28;
	v10 =	vor.u32 v10, v12  }
0x97: {  	s31 =	sand.u32 $0x70, s28;
	s29 =	sadd.s32 s29, s25  }
0x98: {  	s28 =	sadd.s32 s31, s29  }
0x99: {  	[tilespmem:s28+$0x0] =	vst v11  }
0x9a: {  	[tilespmem:s28+$0x200] =	vst v11  }
0x9b: {  	s24 =	sadd.s32 $0x1, s24;
	v10 =	vld.idx.msk [tilespmem:v10+s20+$0x0], $0xffff  }
0x9c: {  	p0 =	sne.s32 s24, $0x8  }
.Ltmp7:
0x9d: {  	s29 =	sand.u32 $0x180, s26;
	(pc) =	sbr.rel @p0 .LBB2_22-.Ltmp7, $4  }
0x9e: {  	s30 =	sand.u32 $0x70, s26;
	s31 =	sadd.s32 s29, s25  }
0x9f: {  	s25 =	sadd.s32 s30, s31  }
0xa0: {  	[tilespmem:s25+$0x0] =	vst v10  }
0xa1: {  	[tilespmem:s25+$0x200] =	vst v10  }
0xa2: {  	[hbm4b:s10+s5] =	stream.linear.scatter [tilespmem:s21], [sflag:$0x1], $0x2000, $0x38;
	[tilespmem:$0xF400] =	vst v63  }
0xa3: {  	s22 =	sadd.s32 $0x1, s22  }
0xa4: {  	p0 =	sne.s32 s22, s11  }
.Ltmp8:
0xa5: {  	_ = 	snop;
	(pc) =	sbr.rel @p0 .LBB2_1-.Ltmp8, $4  }
.Ltmp9:
0xa6: {  	_ = 	snop;
	(pc) =	sbr.rel @!p0 .LBB2_26-.Ltmp9, $4  }
0xa7: {  	_ =	swait.ge [sflag:s13], $0x2000  }
0xa8: {  	[sflag:s13] =	ssyncset.done $0x0  }
0xa9: {  	[sflag:s13] =	ssyncadd.s32 $0xFFFFE000  }
0xaa: {  	_ = 	snop  }
.LBB2_14:
0xab: {  	_ = 	snop  }
.LBB2_19:
0xac: {  	_ =	sdelay $0x3  }
0xad: {  	v12 =	vmax.f32 @p0 v12, v10  }
0xae: {  	[tilespmem:v14+s20+$0x0] =	vst.idx.msk @p0 vm5, v12  }
0xaf: {  	v12 =	vld.idx.msk [tilespmem:v11+s20+$0x0], $0xffff;
	_ =	sdelay $0x4  }
0xb0: {  	v10 =	vmax.f32 v12, v10  }
0xb1: {  	[tilespmem:v11+s20+$0x0] =	vst.idx.msk vm5, v10  }
.LBB2_20:
0xb2: {  	s24 =	sadd.s32 $0x1, s24  }
0xb3: {  	p0 =	sne.s32 s24, s23  }
.Ltmp10:
0xb4: {  	_ = 	snop;
	(pc) =	sbr.rel @!p0 .LBB2_21-.Ltmp10, $1  }
0xb5: {  	_ =	sdelay $0x3  }
.LBB2_12:
0xb6: {  	v10 =	vld [tilespmem:s24+$0xA280];
	_ =	sdelay $0x4  }
0xb7: {  	(v2sf) =	vpush v10, $0x0;
	_ =	sdelay $0xe  }
0xb8: {  	s25 =	spop (v2sf)  }
0xb9: {  	v10 =	vld [tilespmem:s25+$0x0];
	_ =	sdelay $0x4  }
0xba: {  	(v2sf) =	vpush v10, $0x0;
	_ =	sdelay $0xe  }
0xbb: {  	s26 =	spop (v2sf)  }
0xbc: {  	s28 =	sshrl.u32 s26, $0x8  }
0xbd: {  	s29 =	sshrl.u32 s26, $0x18;
	s28 =	sand.u32 $0xFF, s28  }
0xbe: {  	s29 =	smin.u32 s29, s2;
	s28 =	smax.u32 s28, s1  }
0xbf: {  	p0 =	sle.u32 s29, s28  }
.Ltmp11:
0xc0: {  	_ = 	snop;
	(pc) =	sbr.rel @p0 .LBB2_20-.Ltmp11, $1  }
0xc1: {  	_ =	sdelay $0x3  }
0xc2: {  	s31 =	sadd.s32 s28, s12;
	s28 =	ssub.s32 s29, s28  }
0xc3: {  	s30 =	sand.u32 $0xFF, s26;
	s26 =	sshrl.u32 s26, $0x10;
	p1 =	sne.s32 s28, $0x1  }
.Ltmp12:
0xc4: {  	s26 =	sand.u32 $0xFF, s26;
	(pc) =	sbr.rel @!p1 .LBB2_14-.Ltmp12, $4  }
0xc5: {  	s31 =	sshll.u32 s31, $0x8;
	v11 =	vadd.s32 s30, v7;
	v12 =	vmov s26  }
0xc6: {  	v10 =	vld.msk [tilespmem:s25+$0x2880 ss:$0x0], $0xffff;
	s26 =	sor.u32 s30, s31;
	vm5 =	vlt.u32 v11, v12  }
0xc7: {  	v11 =	vadd.s32 s26, v7  }
0xc8: {  	p0 =	por $0x0, $0x0;
	s28 =	sadd.s32 $0xFFFFFFFF, s28  }
0xc9: {  	_ = 	snop  }
0xca: {  	p1 =	sne.s32 s28, $0x1  }
.Ltmp13:
0xcb: {  	_ = 	snop;
	(pc) =	sbr.rel @!p1 .LBB2_16-.Ltmp13, $4  }
0xcc: {  	_ = 	snop  }
0xcd: {  	v12 =	vld.idx.msk [tilespmem:v11+s20+$0x0], $0xffff  }
0xce: {  	s25 =	sadd.s32 $0x100, s26  }
0xcf: {  	s26 =	sadd.s32 $0xFFFFFFFF, s28;
	p0 =	por $0x1, $0x1;
	v13 =	vadd.s32 s25, v7  }
.LBB2_17:
0xd0: {  	p1 =	sne.s32 s26, $0x1;
	_ =	sdelay $0x1  }
0xd1: {  	v12 =	vmax.f32 v12, v10  }
.Ltmp14:
0xd2: {  	[tilespmem:v11+s20+$0x0] =	vst.idx.msk vm5, v12;
	v11 =	vmov v13;
	(pc) =	sbr.rel @p1 .LBB2_17-.Ltmp14, $3  }
0xd3: {  	v12 =	vld.idx.msk [tilespmem:v13+s20+$0x0], $0xffff;
	_ =	sdelay $0x1  }
0xd4: {  	s25 =	sadd.s32 $0x100, s25  }
0xd5: {  	s26 =	sadd.s32 $0xFFFFFFFF, s26;
	v13 =	vadd.s32 s25, v7  }
.Ltmp15:
0xd6: {  	(pc) =	sbr.rel .LBB2_19-.Ltmp15, $2  }
0xd7: {  	_ =	sdelay $0x2  }
0xd8: {  	v14 =	vmov v11;
	v11 =	vmov v13  }
.LBB2_16:
.Ltmp16:
0xd9: {  	(pc) =	sbr.rel .LBB2_19-.Ltmp16, $2  }
0xda: {  	_ =	sdelay $0x2  }
0xdb: {  	v14 =	vmov v11;
	v11 =	vmov v13  }
.LBB2_26:
0xdc: {  	_ =	sfence.sel $0x180000  }
0xdd: {  	[bflag:$0x0] =	sbarrier.arrive $0xFFFF  }
0xde: {  	p0 =	sne.s32 s0, $0x0;
	_ =	strace $0x90000047  }
0xdf: {  	s0 =	sadd.s32 @!p0 $0x100000, s4;
	[bflag:$0x2] =	sbarrier.arrive $0xFFFF  }
0xe0: {  	[sflag:s0] =	ssyncadd.tile.s32 @!p0 $0x1;
	_ =	shalt  }
.Lfunc_end2:
_tile_overlayer_lowered:
.L_overlay_start_2:
0xe1: {  	(tag) =	ssettag $0x2  }
0xe2: {  	s0 =	rddreg [dreg:$0x0];
	s2 =	stileid.u32  }
0xe3: {  	s1 =	rddreg [dreg:$0x1];
	p0 =	sne.s32 s2, $0x0  }
0xe4: {  	s3 =	rddreg [dreg:$0x2];
	[bflag:$0x3] =	sbarrier.arrive $0xFFFF;
	s2 =	simm.s32 @!p0 $0x1C01  }
0xe5: {  	[timem:s3], [sflag:s2] =	dma.local @!p0 [hbm:s0], s1  }
0xe6: {  	s0 =	simm.s32 @!p0 $0x1  }
0xe7: {  	_ =	swait.ge @!p0 [sflag:s0], s1  }
0xe8: {  	s1 =	ssub.s32 @!p0 $0x0, s1;
	[sflag:s0] =	ssyncset.done @!p0 $0x0  }
0xe9: {  	[sflag:s0] =	ssyncadd.s32 @!p0 s1  }
0xea: {  	[bflag:$0x3] =	sbarrier.arrive $0xFFFF  }
0xeb: {  	_ =	shalt  }

</sc_bundles>
